<compile_context>
chip_gen: v7x
topology: tpu7x:2x2x1
jax: 0.10.2.dev20260603
libtpu: 0.0.44.dev20260713+nightly
codegen_flags: <defaults>
</compile_context>

<pallas_src>
import functools

import jax
import jax.numpy as jnp
from jax import lax
from jax.experimental import pallas as pl
from jax.experimental.pallas import tpu as pltpu
from jax.experimental.pallas import tpu_sc as plsc

NROWS = 1000000
SQ = 262144
NPACK = SQ
BATCH = 16384
D = 64
D2 = 32
DP = 128
H1 = 128
H2 = 64
NC = 2
NS = 16
NW = NC * NS
BPW = BATCH // NW
CHUNK = 128
K = BPW // CHUNK

TL = 8192
TG = SQ // TL
QB = SQ // TL

BT = 4096


def _pack_q(x):
    xi = lax.bitcast_convert_type(x, jnp.int32)
    r16 = (xi + 0x8000) >> 16
    return (r16[:D2] & 0xFFFF) | (r16[D2:] << 16)


def _tr_body(x0_ref, x1_ref, x2_ref, x3_ref, o_ref):
    w = jnp.concatenate(
        [_pack_q(x0_ref[...]), _pack_q(x1_ref[...]),
         _pack_q(x2_ref[...]), _pack_q(x3_ref[...])], axis=0)
    o_ref[...] = lax.bitcast_convert_type(w.T, jnp.float32)


def _tc_transpose(tbl_t):
    nin = NROWS // TL
    qspec = lambda q: pl.BlockSpec(
        (D, TL), lambda i: (0, jnp.minimum(i + QB * q, nin)))
    return pl.pallas_call(
        _tr_body,
        grid=(TG,),
        in_specs=[qspec(0), qspec(1), qspec(2), qspec(3)],
        out_specs=pl.BlockSpec((TL, DP), lambda i: (i, 0)),
        out_shape=jax.ShapeDtypeStruct((NPACK, DP), jnp.float32),
    )(tbl_t, tbl_t, tbl_t, tbl_t)


def _sc_gather(tbl_pad, id3):
    mesh = plsc.VectorSubcoreMesh(core_axis_name="c", subcore_axis_name="s")

    @functools.partial(
        pl.kernel,
        mesh=mesh,
        out_type=jax.ShapeDtypeStruct((BATCH, DP), jnp.float32),
        scratch_types=[
            pltpu.VMEM((K, CHUNK), jnp.int32),
            pltpu.VMEM((CHUNK, DP), jnp.float32),
            pltpu.VMEM((CHUNK, DP), jnp.float32),
            pltpu.SemaphoreType.DMA,
            pltpu.SemaphoreType.DMA,
            pltpu.SemaphoreType.DMA,
            pltpu.SemaphoreType.DMA,
        ],
    )
    def k(tbl_hbm, id_hbm, out_hbm, idx_v, b0, b1, gs0, gs1, ws0, ws1):
        wid = lax.axis_index("s") * NC + lax.axis_index("c")
        base = wid * BPW
        pltpu.sync_copy(id_hbm.at[wid], idx_v)

        def out_at(c):
            return out_hbm.at[pl.ds(base + c * CHUNK, CHUNK)]

        pltpu.async_copy(tbl_hbm.at[idx_v.at[0]], b0, gs0)
        pltpu.async_copy(tbl_hbm.at[idx_v.at[1]], b1, gs1)
        pltpu.make_async_copy(tbl_hbm.at[idx_v.at[0]], b0, gs0).wait()
        pltpu.async_copy(b0, out_at(0), ws0)
        pltpu.make_async_copy(tbl_hbm.at[idx_v.at[1]], b1, gs1).wait()
        pltpu.async_copy(b1, out_at(1), ws1)
        pltpu.make_async_copy(b0, out_at(0), ws0).wait()
        pltpu.async_copy(tbl_hbm.at[idx_v.at[2]], b0, gs0)
        pltpu.make_async_copy(b1, out_at(1), ws1).wait()
        pltpu.async_copy(tbl_hbm.at[idx_v.at[3]], b1, gs1)
        pltpu.make_async_copy(tbl_hbm.at[idx_v.at[2]], b0, gs0).wait()
        pltpu.async_copy(b0, out_at(2), ws0)
        pltpu.make_async_copy(tbl_hbm.at[idx_v.at[3]], b1, gs1).wait()
        pltpu.async_copy(b1, out_at(3), ws1)
        pltpu.make_async_copy(b0, out_at(2), ws0).wait()
        pltpu.make_async_copy(b1, out_at(3), ws1).wait()

    return k(tbl_pad, id3)


def _unpack(g, q):
    laneq = lax.broadcasted_iota(jnp.int32, (BT, DP), 1) >> 5
    gm = jnp.where(laneq == q, lax.bitcast_convert_type(g, jnp.int32), 0)
    bits = (gm[:, :D2] | gm[:, D2:2 * D2]
            | gm[:, 2 * D2:3 * D2] | gm[:, 3 * D2:])
    lo = lax.bitcast_convert_type(bits << 16, jnp.float32)
    hi = lax.bitcast_convert_type(bits & jnp.int32(-65536), jnp.float32)
    return lo, hi


def _mlp_body(gu_ref, gi_ref, qu_ref, qi_ref, w1_ref, b1_ref, w2_ref, b2_ref,
              w3t_ref, b3_ref, out_ref):
    ulo, uhi = _unpack(gu_ref[...], qu_ref[...])
    ilo, ihi = _unpack(gi_ref[...], qi_ref[...])
    comb = jnp.concatenate([ulo, uhi, ilo, ihi], axis=1)
    h = jnp.dot(comb, w1_ref[...], preferred_element_type=jnp.float32)
    h = jax.nn.relu(h + b1_ref[...])
    h = jax.nn.relu(jnp.dot(h, w2_ref[...],
                            preferred_element_type=jnp.float32) + b2_ref[...])
    p = jnp.sum(h * w3t_ref[...], axis=1, keepdims=True) + b3_ref[...]
    out_ref[...] = jax.nn.sigmoid(p)


def _tc_mlp(ue, ie, qu, qi, W1, b1, W2, b2, W3, b3):
    b1r = b1.reshape(1, H1)
    b2r = b2.reshape(1, H2)
    w3t = W3.reshape(1, H2)
    b3r = b3.reshape(1, 1)
    rep = lambda i: (0, 0)
    out = pl.pallas_call(
        _mlp_body,
        grid=(BATCH // BT,),
        in_specs=[
            pl.BlockSpec((BT, DP), lambda i: (i, 0)),
            pl.BlockSpec((BT, DP), lambda i: (i, 0)),
            pl.BlockSpec((BT, 1), lambda i: (i, 0)),
            pl.BlockSpec((BT, 1), lambda i: (i, 0)),
            pl.BlockSpec((H1, H1), rep),
            pl.BlockSpec((1, H1), rep),
            pl.BlockSpec((H1, H2), rep),
            pl.BlockSpec((1, H2), rep),
            pl.BlockSpec((1, H2), rep),
            pl.BlockSpec((1, 1), rep),
        ],
        out_specs=pl.BlockSpec((BT, 1), lambda i: (i, 0)),
        out_shape=jax.ShapeDtypeStruct((BATCH, 1), jnp.float32),
    )(ue, ie, qu, qi, W1, b1r, W2, b2r, w3t, b3r)
    return out.reshape(BATCH)


def kernel(user_ids, item_ids, user_table, item_table, W1, b1, W2, b2, W3, b3):
    uids = user_ids.astype(jnp.int32)
    iids = item_ids.astype(jnp.int32)
    uid3 = (uids & (SQ - 1)).reshape(NW, K, CHUNK)
    iid3 = (iids & (SQ - 1)).reshape(NW, K, CHUNK)
    qu = (uids >> 18).reshape(BATCH, 1)
    qi = (iids >> 18).reshape(BATCH, 1)
    ut_pad = _tc_transpose(user_table.T)
    ue = _sc_gather(ut_pad, uid3)
    it_pad = _tc_transpose(item_table.T)
    ie = _sc_gather(it_pad, iid3)
    return _tc_mlp(ue, ie, qu, qi, W1, b1, W2, b2, W3, b3)

# --- scband reference (transcript-rebuilt; emitter-appended) ---
"""Pipeline reference for scband-neural-recommender-7121055777424 (READ-ONLY COPY).

The authoritative reference and input builder live on the scoring server;
editing this copy changes nothing except your own understanding.
"""

import jax, jax.numpy as jnp
import numpy as np

NUM_USERS = 1000000
NUM_ITEMS = 1000000
EMBED_DIM = 64
BATCH = 16384
HIDDEN = [128, 64]


def setup_inputs(seed: int = 0) -> dict:
    key = jax.random.key(seed)
    ks = jax.random.split(key, 10)
    user_ids = jax.random.randint(ks[0], (BATCH,), 0, NUM_USERS, dtype=jnp.int32).astype(jnp.int64)
    item_ids = jax.random.randint(ks[1], (BATCH,), 0, NUM_ITEMS, dtype=jnp.int32).astype(jnp.int64)
    user_table = jax.random.normal(ks[2], (NUM_USERS, EMBED_DIM), dtype=jnp.float32) * 0.05
    item_table = jax.random.normal(ks[3], (NUM_ITEMS, EMBED_DIM), dtype=jnp.float32) * 0.05
    in_dim = EMBED_DIM * 2
    W1 = jax.random.normal(ks[4], (in_dim, HIDDEN[0]), dtype=jnp.float32) * (1.0 / np.sqrt(in_dim))
    b1 = jnp.zeros((HIDDEN[0],), dtype=jnp.float32)
    W2 = jax.random.normal(ks[5], (HIDDEN[0], HIDDEN[1]), dtype=jnp.float32) * (1.0 / np.sqrt(HIDDEN[0]))
    b2 = jnp.zeros((HIDDEN[1],), dtype=jnp.float32)
    W3 = jax.random.normal(ks[6], (HIDDEN[1], 1), dtype=jnp.float32) * (1.0 / np.sqrt(HIDDEN[1]))
    b3 = jnp.zeros((1,), dtype=jnp.float32)
    return {
        "user_ids": user_ids,
        "item_ids": item_ids,
        "user_table": user_table,
        "item_table": item_table,
        "W1": W1, "b1": b1,
        "W2": W2, "b2": b2,
        "W3": W3, "b3": b3,
    }


def reference(user_ids, item_ids, user_table, item_table, W1, b1, W2, b2, W3, b3):
    # Embedding lookups (gather)
    user_embeds = jnp.take(user_table, user_ids, axis=0)
    item_embeds = jnp.take(item_table, item_ids, axis=0)
    combined = jnp.concatenate([user_embeds, item_embeds], axis=1)
    # MLP (dropout is identity at inference)
    h = jax.nn.relu(combined @ W1 + b1)
    h = jax.nn.relu(h @ W2 + b2)
    out = jax.nn.sigmoid(h @ W3 + b3)
    return jnp.squeeze(out, axis=-1)

if __name__ == "__main__":
    import jax
    _d = setup_inputs()
    print(jax.jit(kernel)(*tuple(_d.values())))

</pallas_src>

<mosaic_0001>
#map = affine_map<(d0, d1) -> (0, 0)>
#map1 = affine_map<(d0, d1) -> (0, 0, 0)>
module attributes {stable_mosaic.version = 14 : i64} {
  func.func @k(%arg0: i32, %arg1: i32, %arg2: memref<262144x128xf32, #tpu.memory_space<hbm>>, %arg3: memref<32x4x128xi32, #tpu.memory_space<hbm>>, %arg4: memref<16384x128xf32, #tpu.memory_space<hbm>>, %arg5: memref<4x128xi32, #tpu.memory_space<vmem>>, %arg6: memref<128x128xf32, #tpu.memory_space<vmem>>, %arg7: memref<128x128xf32, #tpu.memory_space<vmem>>, %arg8: memref<!tpu.dma_semaphore, #tpu.memory_space<semaphore_mem>>, %arg9: memref<!tpu.dma_semaphore, #tpu.memory_space<semaphore_mem>>, %arg10: memref<!tpu.dma_semaphore, #tpu.memory_space<semaphore_mem>>, %arg11: memref<!tpu.dma_semaphore, #tpu.memory_space<semaphore_mem>>) attributes {dimension_semantics = [#tpu.dimension_semantics<core_parallel>, #tpu.dimension_semantics<subcore_parallel>], iteration_bounds = array<i64: 2, 16>, scalar_prefetch = 0 : i64, scratch_operands = 7 : i64, tpu.core_type = #tpu.core_type<sc_vector_subcore>, window_params = [{transform_indices = #map}, {transform_indices = #map1}, {transform_indices = #map}]} {
    %mul3A = arith.constant 2 : i32
    %mul3A_0 = arith.muli %arg1, %mul3A : i32
    %add3A = arith.addi %mul3A_0, %arg0 : i32
    %mul3A_1 = arith.constant 512 : i32
    %mul3A_2 = arith.muli %add3A, %mul3A_1 : i32
    "tpu.region"() ({
      %run_scoped3A = tpu.sem_alloc : memref<!tpu.dma_semaphore, #tpu.memory_space<semaphore_mem>>
      %dma_start3A_105 = arith.constant 0 : i32
      %dma_start3A_106 = arith.constant 0 : i32
      %dma_start3A_107 = tpu.memref_slice %arg3[%add3A, %dma_start3A_105, %dma_start3A_106] : memref<32x4x128xi32, #tpu.memory_space<hbm>> -> memref<1x4x128xi32, #tpu.memory_space<hbm>>
      %dma_start3A_108 = tpu.memref_squeeze %dma_start3A_107 : memref<1x4x128xi32, #tpu.memory_space<hbm>> -> memref<4x128xi32, #tpu.memory_space<hbm>>
      %dma_start3A_109 = arith.constant 0 : i32
      %dma_start3A_110 = arith.constant 0 : i32
      %dma_start3A_111 = tpu.memref_slice %arg3[%add3A, %dma_start3A_109, %dma_start3A_110] : memref<32x4x128xi32, #tpu.memory_space<hbm>> -> memref<1x4x128xi32, #tpu.memory_space<hbm>>
      %dma_start3A_112 = tpu.memref_squeeze %dma_start3A_111 : memref<1x4x128xi32, #tpu.memory_space<hbm>> -> memref<4x128xi32, #tpu.memory_space<hbm>>
      tpu.enqueue_dma source(%dma_start3A_112 : memref<4x128xi32, #tpu.memory_space<hbm>>) target(%arg5 : memref<4x128xi32, #tpu.memory_space<vmem>>) target_semaphore(%run_scoped3A : memref<!tpu.dma_semaphore, #tpu.memory_space<semaphore_mem>>)
      %dma_wait3A_113 = arith.constant 0 : i32
      %dma_wait3A_114 = arith.constant 0 : i32
      %dma_wait3A_115 = tpu.memref_slice %arg3[%add3A, %dma_wait3A_113, %dma_wait3A_114] : memref<32x4x128xi32, #tpu.memory_space<hbm>> -> memref<1x4x128xi32, #tpu.memory_space<hbm>>
      %dma_wait3A_116 = tpu.memref_squeeze %dma_wait3A_115 : memref<1x4x128xi32, #tpu.memory_space<hbm>> -> memref<4x128xi32, #tpu.memory_space<hbm>>
      %dma_wait3A_117 = arith.constant 0 : i32
      %dma_wait3A_118 = arith.constant 0 : i32
      %dma_wait3A_119 = tpu.memref_slice %arg3[%add3A, %dma_wait3A_117, %dma_wait3A_118] : memref<32x4x128xi32, #tpu.memory_space<hbm>> -> memref<1x4x128xi32, #tpu.memory_space<hbm>>
      %dma_wait3A_120 = tpu.memref_squeeze %dma_wait3A_119 : memref<1x4x128xi32, #tpu.memory_space<hbm>> -> memref<4x128xi32, #tpu.memory_space<hbm>>
      tpu.wait_dma2 semaphore(%run_scoped3A : memref<!tpu.dma_semaphore, #tpu.memory_space<semaphore_mem>>) src(%dma_wait3A_120 : memref<4x128xi32, #tpu.memory_space<hbm>>) dst(%arg5 : memref<4x128xi32, #tpu.memory_space<vmem>>)
      tpu.yield
    }) : () -> ()
    %dma_start3A = arith.constant 0 : i32
    %dma_start3A_3 = arith.constant 0 : i32
    %dma_start3A_4 = tpu.memref_slice %arg5[%dma_start3A, %dma_start3A_3] : memref<4x128xi32, #tpu.memory_space<vmem>> -> memref<1x128xi32, #tpu.memory_space<vmem>>
    %dma_start3A_5 = tpu.memref_squeeze %dma_start3A_4 : memref<1x128xi32, #tpu.memory_space<vmem>> -> memref<128xi32, #tpu.memory_space<vmem>>
    %dma_start3A_6 = arith.constant 0 : i32
    %dma_start3A_7 = arith.constant 0 : i32
    %dma_start3A_8 = tpu.memref_slice %arg2[%dma_start3A_6, %dma_start3A_7] : memref<262144x128xf32, #tpu.memory_space<hbm>> -> memref<262144x128xf32, #tpu.memory_space<hbm>>
    tpu.enqueue_indirect_dma source(%dma_start3A_8 : memref<262144x128xf32, #tpu.memory_space<hbm>>) target(%arg6 : memref<128x128xf32, #tpu.memory_space<vmem>>) offsets(%dma_start3A_5 : memref<128xi32, #tpu.memory_space<vmem>>) semaphore(%arg8 : memref<!tpu.dma_semaphore, #tpu.memory_space<semaphore_mem>>)
    %dma_start3A_9 = arith.constant 1 : i32
    %dma_start3A_10 = arith.constant 0 : i32
    %dma_start3A_11 = tpu.memref_slice %arg5[%dma_start3A_9, %dma_start3A_10] : memref<4x128xi32, #tpu.memory_space<vmem>> -> memref<1x128xi32, #tpu.memory_space<vmem>>
    %dma_start3A_12 = tpu.memref_squeeze %dma_start3A_11 : memref<1x128xi32, #tpu.memory_space<vmem>> -> memref<128xi32, #tpu.memory_space<vmem>>
    %dma_start3A_13 = arith.constant 0 : i32
    %dma_start3A_14 = arith.constant 0 : i32
    %dma_start3A_15 = tpu.memref_slice %arg2[%dma_start3A_13, %dma_start3A_14] : memref<262144x128xf32, #tpu.memory_space<hbm>> -> memref<262144x128xf32, #tpu.memory_space<hbm>>
    tpu.enqueue_indirect_dma source(%dma_start3A_15 : memref<262144x128xf32, #tpu.memory_space<hbm>>) target(%arg7 : memref<128x128xf32, #tpu.memory_space<vmem>>) offsets(%dma_start3A_12 : memref<128xi32, #tpu.memory_space<vmem>>) semaphore(%arg9 : memref<!tpu.dma_semaphore, #tpu.memory_space<semaphore_mem>>)
    %dma_wait3A = arith.constant 0 : i32
    %dma_wait3A_16 = arith.constant 0 : i32
    %dma_wait3A_17 = tpu.memref_slice %arg5[%dma_wait3A, %dma_wait3A_16] : memref<4x128xi32, #tpu.memory_space<vmem>> -> memref<1x128xi32, #tpu.memory_space<vmem>>
    %dma_wait3A_18 = tpu.memref_squeeze %dma_wait3A_17 : memref<1x128xi32, #tpu.memory_space<vmem>> -> memref<128xi32, #tpu.memory_space<vmem>>
    %dma_wait3A_19 = arith.constant 0 : i32
    %dma_wait3A_20 = arith.constant 0 : i32
    %dma_wait3A_21 = tpu.memref_slice %arg2[%dma_wait3A_19, %dma_wait3A_20] : memref<262144x128xf32, #tpu.memory_space<hbm>> -> memref<262144x128xf32, #tpu.memory_space<hbm>>
    tpu.wait_indirect_dma semaphore(%arg8 : memref<!tpu.dma_semaphore, #tpu.memory_space<semaphore_mem>>) src(%dma_wait3A_21 : memref<262144x128xf32, #tpu.memory_space<hbm>>) dst(%arg6 : memref<128x128xf32, #tpu.memory_space<vmem>>)
    %add3A_22 = arith.constant 0 : i32
    %add3A_23 = arith.addi %mul3A_2, %add3A_22 : i32
    %dma_start3A_24 = arith.constant 0 : i32
    %dma_start3A_25 = tpu.memref_slice %arg4[%add3A_23, %dma_start3A_24] : memref<16384x128xf32, #tpu.memory_space<hbm>> -> memref<128x128xf32, #tpu.memory_space<hbm>>
    %dma_start3A_26 = arith.constant 0 : i32
    %dma_start3A_27 = tpu.memref_slice %arg4[%add3A_23, %dma_start3A_26] : memref<16384x128xf32, #tpu.memory_space<hbm>> -> memref<128x128xf32, #tpu.memory_space<hbm>>
    tpu.enqueue_dma source(%arg6 : memref<128x128xf32, #tpu.memory_space<vmem>>) target(%dma_start3A_27 : memref<128x128xf32, #tpu.memory_space<hbm>>) target_semaphore(%arg10 : memref<!tpu.dma_semaphore, #tpu.memory_space<semaphore_mem>>)
    %dma_wait3A_28 = arith.constant 1 : i32
    %dma_wait3A_29 = arith.constant 0 : i32
    %dma_wait3A_30 = tpu.memref_slice %arg5[%dma_wait3A_28, %dma_wait3A_29] : memref<4x128xi32, #tpu.memory_space<vmem>> -> memref<1x128xi32, #tpu.memory_space<vmem>>
    %dma_wait3A_31 = tpu.memref_squeeze %dma_wait3A_30 : memref<1x128xi32, #tpu.memory_space<vmem>> -> memref<128xi32, #tpu.memory_space<vmem>>
    %dma_wait3A_32 = arith.constant 0 : i32
    %dma_wait3A_33 = arith.constant 0 : i32
    %dma_wait3A_34 = tpu.memref_slice %arg2[%dma_wait3A_32, %dma_wait3A_33] : memref<262144x128xf32, #tpu.memory_space<hbm>> -> memref<262144x128xf32, #tpu.memory_space<hbm>>
    tpu.wait_indirect_dma semaphore(%arg9 : memref<!tpu.dma_semaphore, #tpu.memory_space<semaphore_mem>>) src(%dma_wait3A_34 : memref<262144x128xf32, #tpu.memory_space<hbm>>) dst(%arg7 : memref<128x128xf32, #tpu.memory_space<vmem>>)
    %add3A_35 = arith.constant 128 : i32
    %add3A_36 = arith.addi %mul3A_2, %add3A_35 : i32
    %dma_start3A_37 = arith.constant 0 : i32
    %dma_start3A_38 = tpu.memref_slice %arg4[%add3A_36, %dma_start3A_37] : memref<16384x128xf32, #tpu.memory_space<hbm>> -> memref<128x128xf32, #tpu.memory_space<hbm>>
    %dma_start3A_39 = arith.constant 0 : i32
    %dma_start3A_40 = tpu.memref_slice %arg4[%add3A_36, %dma_start3A_39] : memref<16384x128xf32, #tpu.memory_space<hbm>> -> memref<128x128xf32, #tpu.memory_space<hbm>>
    tpu.enqueue_dma source(%arg7 : memref<128x128xf32, #tpu.memory_space<vmem>>) target(%dma_start3A_40 : memref<128x128xf32, #tpu.memory_space<hbm>>) target_semaphore(%arg11 : memref<!tpu.dma_semaphore, #tpu.memory_space<semaphore_mem>>)
    %add3A_41 = arith.constant 0 : i32
    %add3A_42 = arith.addi %mul3A_2, %add3A_41 : i32
    %dma_wait3A_43 = arith.constant 0 : i32
    %dma_wait3A_44 = tpu.memref_slice %arg4[%add3A_42, %dma_wait3A_43] : memref<16384x128xf32, #tpu.memory_space<hbm>> -> memref<128x128xf32, #tpu.memory_space<hbm>>
    %dma_wait3A_45 = arith.constant 0 : i32
    %dma_wait3A_46 = tpu.memref_slice %arg4[%add3A_42, %dma_wait3A_45] : memref<16384x128xf32, #tpu.memory_space<hbm>> -> memref<128x128xf32, #tpu.memory_space<hbm>>
    tpu.wait_dma2 semaphore(%arg10 : memref<!tpu.dma_semaphore, #tpu.memory_space<semaphore_mem>>) src(%arg6 : memref<128x128xf32, #tpu.memory_space<vmem>>) dst(%dma_wait3A_46 : memref<128x128xf32, #tpu.memory_space<hbm>>)
    %dma_start3A_47 = arith.constant 2 : i32
    %dma_start3A_48 = arith.constant 0 : i32
    %dma_start3A_49 = tpu.memref_slice %arg5[%dma_start3A_47, %dma_start3A_48] : memref<4x128xi32, #tpu.memory_space<vmem>> -> memref<1x128xi32, #tpu.memory_space<vmem>>
    %dma_start3A_50 = tpu.memref_squeeze %dma_start3A_49 : memref<1x128xi32, #tpu.memory_space<vmem>> -> memref<128xi32, #tpu.memory_space<vmem>>
    %dma_start3A_51 = arith.constant 0 : i32
    %dma_start3A_52 = arith.constant 0 : i32
    %dma_start3A_53 = tpu.memref_slice %arg2[%dma_start3A_51, %dma_start3A_52] : memref<262144x128xf32, #tpu.memory_space<hbm>> -> memref<262144x128xf32, #tpu.memory_space<hbm>>
    tpu.enqueue_indirect_dma source(%dma_start3A_53 : memref<262144x128xf32, #tpu.memory_space<hbm>>) target(%arg6 : memref<128x128xf32, #tpu.memory_space<vmem>>) offsets(%dma_start3A_50 : memref<128xi32, #tpu.memory_space<vmem>>) semaphore(%arg8 : memref<!tpu.dma_semaphore, #tpu.memory_space<semaphore_mem>>)
    %add3A_54 = arith.constant 128 : i32
    %add3A_55 = arith.addi %mul3A_2, %add3A_54 : i32
    %dma_wait3A_56 = arith.constant 0 : i32
    %dma_wait3A_57 = tpu.memref_slice %arg4[%add3A_55, %dma_wait3A_56] : memref<16384x128xf32, #tpu.memory_space<hbm>> -> memref<128x128xf32, #tpu.memory_space<hbm>>
    %dma_wait3A_58 = arith.constant 0 : i32
    %dma_wait3A_59 = tpu.memref_slice %arg4[%add3A_55, %dma_wait3A_58] : memref<16384x128xf32, #tpu.memory_space<hbm>> -> memref<128x128xf32, #tpu.memory_space<hbm>>
    tpu.wait_dma2 semaphore(%arg11 : memref<!tpu.dma_semaphore, #tpu.memory_space<semaphore_mem>>) src(%arg7 : memref<128x128xf32, #tpu.memory_space<vmem>>) dst(%dma_wait3A_59 : memref<128x128xf32, #tpu.memory_space<hbm>>)
    %dma_start3A_60 = arith.constant 3 : i32
    %dma_start3A_61 = arith.constant 0 : i32
    %dma_start3A_62 = tpu.memref_slice %arg5[%dma_start3A_60, %dma_start3A_61] : memref<4x128xi32, #tpu.memory_space<vmem>> -> memref<1x128xi32, #tpu.memory_space<vmem>>
    %dma_start3A_63 = tpu.memref_squeeze %dma_start3A_62 : memref<1x128xi32, #tpu.memory_space<vmem>> -> memref<128xi32, #tpu.memory_space<vmem>>
    %dma_start3A_64 = arith.constant 0 : i32
    %dma_start3A_65 = arith.constant 0 : i32
    %dma_start3A_66 = tpu.memref_slice %arg2[%dma_start3A_64, %dma_start3A_65] : memref<262144x128xf32, #tpu.memory_space<hbm>> -> memref<262144x128xf32, #tpu.memory_space<hbm>>
    tpu.enqueue_indirect_dma source(%dma_start3A_66 : memref<262144x128xf32, #tpu.memory_space<hbm>>) target(%arg7 : memref<128x128xf32, #tpu.memory_space<vmem>>) offsets(%dma_start3A_63 : memref<128xi32, #tpu.memory_space<vmem>>) semaphore(%arg9 : memref<!tpu.dma_semaphore, #tpu.memory_space<semaphore_mem>>)
    %dma_wait3A_67 = arith.constant 2 : i32
    %dma_wait3A_68 = arith.constant 0 : i32
    %dma_wait3A_69 = tpu.memref_slice %arg5[%dma_wait3A_67, %dma_wait3A_68] : memref<4x128xi32, #tpu.memory_space<vmem>> -> memref<1x128xi32, #tpu.memory_space<vmem>>
    %dma_wait3A_70 = tpu.memref_squeeze %dma_wait3A_69 : memref<1x128xi32, #tpu.memory_space<vmem>> -> memref<128xi32, #tpu.memory_space<vmem>>
    %dma_wait3A_71 = arith.constant 0 : i32
    %dma_wait3A_72 = arith.constant 0 : i32
    %dma_wait3A_73 = tpu.memref_slice %arg2[%dma_wait3A_71, %dma_wait3A_72] : memref<262144x128xf32, #tpu.memory_space<hbm>> -> memref<262144x128xf32, #tpu.memory_space<hbm>>
    tpu.wait_indirect_dma semaphore(%arg8 : memref<!tpu.dma_semaphore, #tpu.memory_space<semaphore_mem>>) src(%dma_wait3A_73 : memref<262144x128xf32, #tpu.memory_space<hbm>>) dst(%arg6 : memref<128x128xf32, #tpu.memory_space<vmem>>)
    %add3A_74 = arith.constant 256 : i32
    %add3A_75 = arith.addi %mul3A_2, %add3A_74 : i32
    %dma_start3A_76 = arith.constant 0 : i32
    %dma_start3A_77 = tpu.memref_slice %arg4[%add3A_75, %dma_start3A_76] : memref<16384x128xf32, #tpu.memory_space<hbm>> -> memref<128x128xf32, #tpu.memory_space<hbm>>
    %dma_start3A_78 = arith.constant 0 : i32
    %dma_start3A_79 = tpu.memref_slice %arg4[%add3A_75, %dma_start3A_78] : memref<16384x128xf32, #tpu.memory_space<hbm>> -> memref<128x128xf32, #tpu.memory_space<hbm>>
    tpu.enqueue_dma source(%arg6 : memref<128x128xf32, #tpu.memory_space<vmem>>) target(%dma_start3A_79 : memref<128x128xf32, #tpu.memory_space<hbm>>) target_semaphore(%arg10 : memref<!tpu.dma_semaphore, #tpu.memory_space<semaphore_mem>>)
    %dma_wait3A_80 = arith.constant 3 : i32
    %dma_wait3A_81 = arith.constant 0 : i32
    %dma_wait3A_82 = tpu.memref_slice %arg5[%dma_wait3A_80, %dma_wait3A_81] : memref<4x128xi32, #tpu.memory_space<vmem>> -> memref<1x128xi32, #tpu.memory_space<vmem>>
    %dma_wait3A_83 = tpu.memref_squeeze %dma_wait3A_82 : memref<1x128xi32, #tpu.memory_space<vmem>> -> memref<128xi32, #tpu.memory_space<vmem>>
    %dma_wait3A_84 = arith.constant 0 : i32
    %dma_wait3A_85 = arith.constant 0 : i32
    %dma_wait3A_86 = tpu.memref_slice %arg2[%dma_wait3A_84, %dma_wait3A_85] : memref<262144x128xf32, #tpu.memory_space<hbm>> -> memref<262144x128xf32, #tpu.memory_space<hbm>>
    tpu.wait_indirect_dma semaphore(%arg9 : memref<!tpu.dma_semaphore, #tpu.memory_space<semaphore_mem>>) src(%dma_wait3A_86 : memref<262144x128xf32, #tpu.memory_space<hbm>>) dst(%arg7 : memref<128x128xf32, #tpu.memory_space<vmem>>)
    %add3A_87 = arith.constant 384 : i32
    %add3A_88 = arith.addi %mul3A_2, %add3A_87 : i32
    %dma_start3A_89 = arith.constant 0 : i32
    %dma_start3A_90 = tpu.memref_slice %arg4[%add3A_88, %dma_start3A_89] : memref<16384x128xf32, #tpu.memory_space<hbm>> -> memref<128x128xf32, #tpu.memory_space<hbm>>
    %dma_start3A_91 = arith.constant 0 : i32
    %dma_start3A_92 = tpu.memref_slice %arg4[%add3A_88, %dma_start3A_91] : memref<16384x128xf32, #tpu.memory_space<hbm>> -> memref<128x128xf32, #tpu.memory_space<hbm>>
    tpu.enqueue_dma source(%arg7 : memref<128x128xf32, #tpu.memory_space<vmem>>) target(%dma_start3A_92 : memref<128x128xf32, #tpu.memory_space<hbm>>) target_semaphore(%arg11 : memref<!tpu.dma_semaphore, #tpu.memory_space<semaphore_mem>>)
    %add3A_93 = arith.constant 256 : i32
    %add3A_94 = arith.addi %mul3A_2, %add3A_93 : i32
    %dma_wait3A_95 = arith.constant 0 : i32
    %dma_wait3A_96 = tpu.memref_slice %arg4[%add3A_94, %dma_wait3A_95] : memref<16384x128xf32, #tpu.memory_space<hbm>> -> memref<128x128xf32, #tpu.memory_space<hbm>>
    %dma_wait3A_97 = arith.constant 0 : i32
    %dma_wait3A_98 = tpu.memref_slice %arg4[%add3A_94, %dma_wait3A_97] : memref<16384x128xf32, #tpu.memory_space<hbm>> -> memref<128x128xf32, #tpu.memory_space<hbm>>
    tpu.wait_dma2 semaphore(%arg10 : memref<!tpu.dma_semaphore, #tpu.memory_space<semaphore_mem>>) src(%arg6 : memref<128x128xf32, #tpu.memory_space<vmem>>) dst(%dma_wait3A_98 : memref<128x128xf32, #tpu.memory_space<hbm>>)
    %add3A_99 = arith.constant 384 : i32
    %add3A_100 = arith.addi %mul3A_2, %add3A_99 : i32
    %dma_wait3A_101 = arith.constant 0 : i32
    %dma_wait3A_102 = tpu.memref_slice %arg4[%add3A_100, %dma_wait3A_101] : memref<16384x128xf32, #tpu.memory_space<hbm>> -> memref<128x128xf32, #tpu.memory_space<hbm>>
    %dma_wait3A_103 = arith.constant 0 : i32
    %dma_wait3A_104 = tpu.memref_slice %arg4[%add3A_100, %dma_wait3A_103] : memref<16384x128xf32, #tpu.memory_space<hbm>> -> memref<128x128xf32, #tpu.memory_space<hbm>>
    tpu.wait_dma2 semaphore(%arg11 : memref<!tpu.dma_semaphore, #tpu.memory_space<semaphore_mem>>) src(%arg7 : memref<128x128xf32, #tpu.memory_space<vmem>>) dst(%dma_wait3A_104 : memref<128x128xf32, #tpu.memory_space<hbm>>)
    return
  }
}

#map = affine_map<(d0, d1) -> (0, 0)>
#map1 = affine_map<(d0, d1) -> (0, 0, 0)>
module attributes {stable_mosaic.version = 14 : i64} {
  func.func @k(%arg0: i32, %arg1: i32, %arg2: memref<262144x128xf32, #tpu.memory_space<hbm>>, %arg3: memref<32x4x128xi32, #tpu.memory_space<hbm>>, %arg4: memref<16384x128xf32, #tpu.memory_space<hbm>>, %arg5: memref<4x128xi32, #tpu.memory_space<vmem>>, %arg6: memref<128x128xf32, #tpu.memory_space<vmem>>, %arg7: memref<128x128xf32, #tpu.memory_space<vmem>>, %arg8: memref<!tpu.dma_semaphore, #tpu.memory_space<semaphore_mem>>, %arg9: memref<!tpu.dma_semaphore, #tpu.memory_space<semaphore_mem>>, %arg10: memref<!tpu.dma_semaphore, #tpu.memory_space<semaphore_mem>>, %arg11: memref<!tpu.dma_semaphore, #tpu.memory_space<semaphore_mem>>) attributes {dimension_semantics = [#tpu.dimension_semantics<core_parallel>, #tpu.dimension_semantics<subcore_parallel>], iteration_bounds = array<i64: 2, 16>, scalar_prefetch = 0 : i64, scratch_operands = 7 : i64, tpu.core_type = #tpu.core_type<sc_vector_subcore>, window_params = [{transform_indices = #map}, {transform_indices = #map1}, {transform_indices = #map}]} {
    %mul3A = arith.constant 2 : i32
    %mul3A_0 = arith.muli %arg1, %mul3A : i32
    %add3A = arith.addi %mul3A_0, %arg0 : i32
    %mul3A_1 = arith.constant 512 : i32
    %mul3A_2 = arith.muli %add3A, %mul3A_1 : i32
    "tpu.region"() ({
      %run_scoped3A = tpu.sem_alloc : memref<!tpu.dma_semaphore, #tpu.memory_space<semaphore_mem>>
      %dma_start3A_105 = arith.constant 0 : i32
      %dma_start3A_106 = arith.constant 0 : i32
      %dma_start3A_107 = tpu.memref_slice %arg3[%add3A, %dma_start3A_105, %dma_start3A_106] : memref<32x4x128xi32, #tpu.memory_space<hbm>> -> memref<1x4x128xi32, #tpu.memory_space<hbm>>
      %dma_start3A_108 = tpu.memref_squeeze %dma_start3A_107 : memref<1x4x128xi32, #tpu.memory_space<hbm>> -> memref<4x128xi32, #tpu.memory_space<hbm>>
      %dma_start3A_109 = arith.constant 0 : i32
      %dma_start3A_110 = arith.constant 0 : i32
      %dma_start3A_111 = tpu.memref_slice %arg3[%add3A, %dma_start3A_109, %dma_start3A_110] : memref<32x4x128xi32, #tpu.memory_space<hbm>> -> memref<1x4x128xi32, #tpu.memory_space<hbm>>
      %dma_start3A_112 = tpu.memref_squeeze %dma_start3A_111 : memref<1x4x128xi32, #tpu.memory_space<hbm>> -> memref<4x128xi32, #tpu.memory_space<hbm>>
      tpu.enqueue_dma source(%dma_start3A_112 : memref<4x128xi32, #tpu.memory_space<hbm>>) target(%arg5 : memref<4x128xi32, #tpu.memory_space<vmem>>) target_semaphore(%run_scoped3A : memref<!tpu.dma_semaphore, #tpu.memory_space<semaphore_mem>>)
      %dma_wait3A_113 = arith.constant 0 : i32
      %dma_wait3A_114 = arith.constant 0 : i32
      %dma_wait3A_115 = tpu.memref_slice %arg3[%add3A, %dma_wait3A_113, %dma_wait3A_114] : memref<32x4x128xi32, #tpu.memory_space<hbm>> -> memref<1x4x128xi32, #tpu.memory_space<hbm>>
      %dma_wait3A_116 = tpu.memref_squeeze %dma_wait3A_115 : memref<1x4x128xi32, #tpu.memory_space<hbm>> -> memref<4x128xi32, #tpu.memory_space<hbm>>
      %dma_wait3A_117 = arith.constant 0 : i32
      %dma_wait3A_118 = arith.constant 0 : i32
      %dma_wait3A_119 = tpu.memref_slice %arg3[%add3A, %dma_wait3A_117, %dma_wait3A_118] : memref<32x4x128xi32, #tpu.memory_space<hbm>> -> memref<1x4x128xi32, #tpu.memory_space<hbm>>
      %dma_wait3A_120 = tpu.memref_squeeze %dma_wait3A_119 : memref<1x4x128xi32, #tpu.memory_space<hbm>> -> memref<4x128xi32, #tpu.memory_space<hbm>>
      tpu.wait_dma2 semaphore(%run_scoped3A : memref<!tpu.dma_semaphore, #tpu.memory_space<semaphore_mem>>) src(%dma_wait3A_120 : memref<4x128xi32, #tpu.memory_space<hbm>>) dst(%arg5 : memref<4x128xi32, #tpu.memory_space<vmem>>)
      tpu.yield
    }) : () -> ()
    %dma_start3A = arith.constant 0 : i32
    %dma_start3A_3 = arith.constant 0 : i32
    %dma_start3A_4 = tpu.memref_slice %arg5[%dma_start3A, %dma_start3A_3] : memref<4x128xi32, #tpu.memory_space<vmem>> -> memref<1x128xi32, #tpu.memory_space<vmem>>
    %dma_start3A_5 = tpu.memref_squeeze %dma_start3A_4 : memref<1x128xi32, #tpu.memory_space<vmem>> -> memref<128xi32, #tpu.memory_space<vmem>>
    %dma_start3A_6 = arith.constant 0 : i32
    %dma_start3A_7 = arith.constant 0 : i32
    %dma_start3A_8 = tpu.memref_slice %arg2[%dma_start3A_6, %dma_start3A_7] : memref<262144x128xf32, #tpu.memory_space<hbm>> -> memref<262144x128xf32, #tpu.memory_space<hbm>>
    tpu.enqueue_indirect_dma source(%dma_start3A_8 : memref<262144x128xf32, #tpu.memory_space<hbm>>) target(%arg6 : memref<128x128xf32, #tpu.memory_space<vmem>>) offsets(%dma_start3A_5 : memref<128xi32, #tpu.memory_space<vmem>>) semaphore(%arg8 : memref<!tpu.dma_semaphore, #tpu.memory_space<semaphore_mem>>)
    %dma_start3A_9 = arith.constant 1 : i32
    %dma_start3A_10 = arith.constant 0 : i32
    %dma_start3A_11 = tpu.memref_slice %arg5[%dma_start3A_9, %dma_start3A_10] : memref<4x128xi32, #tpu.memory_space<vmem>> -> memref<1x128xi32, #tpu.memory_space<vmem>>
    %dma_start3A_12 = tpu.memref_squeeze %dma_start3A_11 : memref<1x128xi32, #tpu.memory_space<vmem>> -> memref<128xi32, #tpu.memory_space<vmem>>
    %dma_start3A_13 = arith.constant 0 : i32
    %dma_start3A_14 = arith.constant 0 : i32
    %dma_start3A_15 = tpu.memref_slice %arg2[%dma_start3A_13, %dma_start3A_14] : memref<262144x128xf32, #tpu.memory_space<hbm>> -> memref<262144x128xf32, #tpu.memory_space<hbm>>
    tpu.enqueue_indirect_dma source(%dma_start3A_15 : memref<262144x128xf32, #tpu.memory_space<hbm>>) target(%arg7 : memref<128x128xf32, #tpu.memory_space<vmem>>) offsets(%dma_start3A_12 : memref<128xi32, #tpu.memory_space<vmem>>) semaphore(%arg9 : memref<!tpu.dma_semaphore, #tpu.memory_space<semaphore_mem>>)
    %dma_wait3A = arith.constant 0 : i32
    %dma_wait3A_16 = arith.constant 0 : i32
    %dma_wait3A_17 = tpu.memref_slice %arg5[%dma_wait3A, %dma_wait3A_16] : memref<4x128xi32, #tpu.memory_space<vmem>> -> memref<1x128xi32, #tpu.memory_space<vmem>>
    %dma_wait3A_18 = tpu.memref_squeeze %dma_wait3A_17 : memref<1x128xi32, #tpu.memory_space<vmem>> -> memref<128xi32, #tpu.memory_space<vmem>>
    %dma_wait3A_19 = arith.constant 0 : i32
    %dma_wait3A_20 = arith.constant 0 : i32
    %dma_wait3A_21 = tpu.memref_slice %arg2[%dma_wait3A_19, %dma_wait3A_20] : memref<262144x128xf32, #tpu.memory_space<hbm>> -> memref<262144x128xf32, #tpu.memory_space<hbm>>
    tpu.wait_indirect_dma semaphore(%arg8 : memref<!tpu.dma_semaphore, #tpu.memory_space<semaphore_mem>>) src(%dma_wait3A_21 : memref<262144x128xf32, #tpu.memory_space<hbm>>) dst(%arg6 : memref<128x128xf32, #tpu.memory_space<vmem>>)
    %add3A_22 = arith.constant 0 : i32
    %add3A_23 = arith.addi %mul3A_2, %add3A_22 : i32
    %dma_start3A_24 = arith.constant 0 : i32
    %dma_start3A_25 = tpu.memref_slice %arg4[%add3A_23, %dma_start3A_24] : memref<16384x128xf32, #tpu.memory_space<hbm>> -> memref<128x128xf32, #tpu.memory_space<hbm>>
    %dma_start3A_26 = arith.constant 0 : i32
    %dma_start3A_27 = tpu.memref_slice %arg4[%add3A_23, %dma_start3A_26] : memref<16384x128xf32, #tpu.memory_space<hbm>> -> memref<128x128xf32, #tpu.memory_space<hbm>>
    tpu.enqueue_dma source(%arg6 : memref<128x128xf32, #tpu.memory_space<vmem>>) target(%dma_start3A_27 : memref<128x128xf32, #tpu.memory_space<hbm>>) target_semaphore(%arg10 : memref<!tpu.dma_semaphore, #tpu.memory_space<semaphore_mem>>)
    %dma_wait3A_28 = arith.constant 1 : i32
    %dma_wait3A_29 = arith.constant 0 : i32
    %dma_wait3A_30 = tpu.memref_slice %arg5[%dma_wait3A_28, %dma_wait3A_29] : memref<4x128xi32, #tpu.memory_space<vmem>> -> memref<1x128xi32, #tpu.memory_space<vmem>>
    %dma_wait3A_31 = tpu.memref_squeeze %dma_wait3A_30 : memref<1x128xi32, #tpu.memory_space<vmem>> -> memref<128xi32, #tpu.memory_space<vmem>>
    %dma_wait3A_32 = arith.constant 0 : i32
    %dma_wait3A_33 = arith.constant 0 : i32
    %dma_wait3A_34 = tpu.memref_slice %arg2[%dma_wait3A_32, %dma_wait3A_33] : memref<262144x128xf32, #tpu.memory_space<hbm>> -> memref<262144x128xf32, #tpu.memory_space<hbm>>
    tpu.wait_indirect_dma semaphore(%arg9 : memref<!tpu.dma_semaphore, #tpu.memory_space<semaphore_mem>>) src(%dma_wait3A_34 : memref<262144x128xf32, #tpu.memory_space<hbm>>) dst(%arg7 : memref<128x128xf32, #tpu.memory_space<vmem>>)
    %add3A_35 = arith.constant 128 : i32
    %add3A_36 = arith.addi %mul3A_2, %add3A_35 : i32
    %dma_start3A_37 = arith.constant 0 : i32
    %dma_start3A_38 = tpu.memref_slice %arg4[%add3A_36, %dma_start3A_37] : memref<16384x128xf32, #tpu.memory_space<hbm>> -> memref<128x128xf32, #tpu.memory_space<hbm>>
    %dma_start3A_39 = arith.constant 0 : i32
    %dma_start3A_40 = tpu.memref_slice %arg4[%add3A_36, %dma_start3A_39] : memref<16384x128xf32, #tpu.memory_space<hbm>> -> memref<128x128xf32, #tpu.memory_space<hbm>>
    tpu.enqueue_dma source(%arg7 : memref<128x128xf32, #tpu.memory_space<vmem>>) target(%dma_start3A_40 : memref<128x128xf32, #tpu.memory_space<hbm>>) target_semaphore(%arg11 : memref<!tpu.dma_semaphore, #tpu.memory_space<semaphore_mem>>)
    %add3A_41 = arith.constant 0 : i32
    %add3A_42 = arith.addi %mul3A_2, %add3A_41 : i32
    %dma_wait3A_43 = arith.constant 0 : i32
    %dma_wait3A_44 = tpu.memref_slice %arg4[%add3A_42, %dma_wait3A_43] : memref<16384x128xf32, #tpu.memory_space<hbm>> -> memref<128x128xf32, #tpu.memory_space<hbm>>
    %dma_wait3A_45 = arith.constant 0 : i32
    %dma_wait3A_46 = tpu.memref_slice %arg4[%add3A_42, %dma_wait3A_45] : memref<16384x128xf32, #tpu.memory_space<hbm>> -> memref<128x128xf32, #tpu.memory_space<hbm>>
    tpu.wait_dma2 semaphore(%arg10 : memref<!tpu.dma_semaphore, #tpu.memory_space<semaphore_mem>>) src(%arg6 : memref<128x128xf32, #tpu.memory_space<vmem>>) dst(%dma_wait3A_46 : memref<128x128xf32, #tpu.memory_space<hbm>>)
    %dma_start3A_47 = arith.constant 2 : i32
    %dma_start3A_48 = arith.constant 0 : i32
    %dma_start3A_49 = tpu.memref_slice %arg5[%dma_start3A_47, %dma_start3A_48] : memref<4x128xi32, #tpu.memory_space<vmem>> -> memref<1x128xi32, #tpu.memory_space<vmem>>
    %dma_start3A_50 = tpu.memref_squeeze %dma_start3A_49 : memref<1x128xi32, #tpu.memory_space<vmem>> -> memref<128xi32, #tpu.memory_space<vmem>>
    %dma_start3A_51 = arith.constant 0 : i32
    %dma_start3A_52 = arith.constant 0 : i32
    %dma_start3A_53 = tpu.memref_slice %arg2[%dma_start3A_51, %dma_start3A_52] : memref<262144x128xf32, #tpu.memory_space<hbm>> -> memref<262144x128xf32, #tpu.memory_space<hbm>>
    tpu.enqueue_indirect_dma source(%dma_start3A_53 : memref<262144x128xf32, #tpu.memory_space<hbm>>) target(%arg6 : memref<128x128xf32, #tpu.memory_space<vmem>>) offsets(%dma_start3A_50 : memref<128xi32, #tpu.memory_space<vmem>>) semaphore(%arg8 : memref<!tpu.dma_semaphore, #tpu.memory_space<semaphore_mem>>)
    %add3A_54 = arith.constant 128 : i32
    %add3A_55 = arith.addi %mul3A_2, %add3A_54 : i32
    %dma_wait3A_56 = arith.constant 0 : i32
    %dma_wait3A_57 = tpu.memref_slice %arg4[%add3A_55, %dma_wait3A_56] : memref<16384x128xf32, #tpu.memory_space<hbm>> -> memref<128x128xf32, #tpu.memory_space<hbm>>
    %dma_wait3A_58 = arith.constant 0 : i32
    %dma_wait3A_59 = tpu.memref_slice %arg4[%add3A_55, %dma_wait3A_58] : memref<16384x128xf32, #tpu.memory_space<hbm>> -> memref<128x128xf32, #tpu.memory_space<hbm>>
    tpu.wait_dma2 semaphore(%arg11 : memref<!tpu.dma_semaphore, #tpu.memory_space<semaphore_mem>>) src(%arg7 : memref<128x128xf32, #tpu.memory_space<vmem>>) dst(%dma_wait3A_59 : memref<128x128xf32, #tpu.memory_space<hbm>>)
    %dma_start3A_60 = arith.constant 3 : i32
    %dma_start3A_61 = arith.constant 0 : i32
    %dma_start3A_62 = tpu.memref_slice %arg5[%dma_start3A_60, %dma_start3A_61] : memref<4x128xi32, #tpu.memory_space<vmem>> -> memref<1x128xi32, #tpu.memory_space<vmem>>
    %dma_start3A_63 = tpu.memref_squeeze %dma_start3A_62 : memref<1x128xi32, #tpu.memory_space<vmem>> -> memref<128xi32, #tpu.memory_space<vmem>>
    %dma_start3A_64 = arith.constant 0 : i32
    %dma_start3A_65 = arith.constant 0 : i32
    %dma_start3A_66 = tpu.memref_slice %arg2[%dma_start3A_64, %dma_start3A_65] : memref<262144x128xf32, #tpu.memory_space<hbm>> -> memref<262144x128xf32, #tpu.memory_space<hbm>>
    tpu.enqueue_indirect_dma source(%dma_start3A_66 : memref<262144x128xf32, #tpu.memory_space<hbm>>) target(%arg7 : memref<128x128xf32, #tpu.memory_space<vmem>>) offsets(%dma_start3A_63 : memref<128xi32, #tpu.memory_space<vmem>>) semaphore(%arg9 : memref<!tpu.dma_semaphore, #tpu.memory_space<semaphore_mem>>)
    %dma_wait3A_67 = arith.constant 2 : i32
    %dma_wait3A_68 = arith.constant 0 : i32
    %dma_wait3A_69 = tpu.memref_slice %arg5[%dma_wait3A_67, %dma_wait3A_68] : memref<4x128xi32, #tpu.memory_space<vmem>> -> memref<1x128xi32, #tpu.memory_space<vmem>>
    %dma_wait3A_70 = tpu.memref_squeeze %dma_wait3A_69 : memref<1x128xi32, #tpu.memory_space<vmem>> -> memref<128xi32, #tpu.memory_space<vmem>>
    %dma_wait3A_71 = arith.constant 0 : i32
    %dma_wait3A_72 = arith.constant 0 : i32
    %dma_wait3A_73 = tpu.memref_slice %arg2[%dma_wait3A_71, %dma_wait3A_72] : memref<262144x128xf32, #tpu.memory_space<hbm>> -> memref<262144x128xf32, #tpu.memory_space<hbm>>
    tpu.wait_indirect_dma semaphore(%arg8 : memref<!tpu.dma_semaphore, #tpu.memory_space<semaphore_mem>>) src(%dma_wait3A_73 : memref<262144x128xf32, #tpu.memory_space<hbm>>) dst(%arg6 : memref<128x128xf32, #tpu.memory_space<vmem>>)
    %add3A_74 = arith.constant 256 : i32
    %add3A_75 = arith.addi %mul3A_2, %add3A_74 : i32
    %dma_start3A_76 = arith.constant 0 : i32
    %dma_start3A_77 = tpu.memref_slice %arg4[%add3A_75, %dma_start3A_76] : memref<16384x128xf32, #tpu.memory_space<hbm>> -> memref<128x128xf32, #tpu.memory_space<hbm>>
    %dma_start3A_78 = arith.constant 0 : i32
    %dma_start3A_79 = tpu.memref_slice %arg4[%add3A_75, %dma_start3A_78] : memref<16384x128xf32, #tpu.memory_space<hbm>> -> memref<128x128xf32, #tpu.memory_space<hbm>>
    tpu.enqueue_dma source(%arg6 : memref<128x128xf32, #tpu.memory_space<vmem>>) target(%dma_start3A_79 : memref<128x128xf32, #tpu.memory_space<hbm>>) target_semaphore(%arg10 : memref<!tpu.dma_semaphore, #tpu.memory_space<semaphore_mem>>)
    %dma_wait3A_80 = arith.constant 3 : i32
    %dma_wait3A_81 = arith.constant 0 : i32
    %dma_wait3A_82 = tpu.memref_slice %arg5[%dma_wait3A_80, %dma_wait3A_81] : memref<4x128xi32, #tpu.memory_space<vmem>> -> memref<1x128xi32, #tpu.memory_space<vmem>>
    %dma_wait3A_83 = tpu.memref_squeeze %dma_wait3A_82 : memref<1x128xi32, #tpu.memory_space<vmem>> -> memref<128xi32, #tpu.memory_space<vmem>>
    %dma_wait3A_84 = arith.constant 0 : i32
    %dma_wait3A_85 = arith.constant 0 : i32
    %dma_wait3A_86 = tpu.memref_slice %arg2[%dma_wait3A_84, %dma_wait3A_85] : memref<262144x128xf32, #tpu.memory_space<hbm>> -> memref<262144x128xf32, #tpu.memory_space<hbm>>
    tpu.wait_indirect_dma semaphore(%arg9 : memref<!tpu.dma_semaphore, #tpu.memory_space<semaphore_mem>>) src(%dma_wait3A_86 : memref<262144x128xf32, #tpu.memory_space<hbm>>) dst(%arg7 : memref<128x128xf32, #tpu.memory_space<vmem>>)
    %add3A_87 = arith.constant 384 : i32
    %add3A_88 = arith.addi %mul3A_2, %add3A_87 : i32
    %dma_start3A_89 = arith.constant 0 : i32
    %dma_start3A_90 = tpu.memref_slice %arg4[%add3A_88, %dma_start3A_89] : memref<16384x128xf32, #tpu.memory_space<hbm>> -> memref<128x128xf32, #tpu.memory_space<hbm>>
    %dma_start3A_91 = arith.constant 0 : i32
    %dma_start3A_92 = tpu.memref_slice %arg4[%add3A_88, %dma_start3A_91] : memref<16384x128xf32, #tpu.memory_space<hbm>> -> memref<128x128xf32, #tpu.memory_space<hbm>>
    tpu.enqueue_dma source(%arg7 : memref<128x128xf32, #tpu.memory_space<vmem>>) target(%dma_start3A_92 : memref<128x128xf32, #tpu.memory_space<hbm>>) target_semaphore(%arg11 : memref<!tpu.dma_semaphore, #tpu.memory_space<semaphore_mem>>)
    %add3A_93 = arith.constant 256 : i32
    %add3A_94 = arith.addi %mul3A_2, %add3A_93 : i32
    %dma_wait3A_95 = arith.constant 0 : i32
    %dma_wait3A_96 = tpu.memref_slice %arg4[%add3A_94, %dma_wait3A_95] : memref<16384x128xf32, #tpu.memory_space<hbm>> -> memref<128x128xf32, #tpu.memory_space<hbm>>
    %dma_wait3A_97 = arith.constant 0 : i32
    %dma_wait3A_98 = tpu.memref_slice %arg4[%add3A_94, %dma_wait3A_97] : memref<16384x128xf32, #tpu.memory_space<hbm>> -> memref<128x128xf32, #tpu.memory_space<hbm>>
    tpu.wait_dma2 semaphore(%arg10 : memref<!tpu.dma_semaphore, #tpu.memory_space<semaphore_mem>>) src(%arg6 : memref<128x128xf32, #tpu.memory_space<vmem>>) dst(%dma_wait3A_98 : memref<128x128xf32, #tpu.memory_space<hbm>>)
    %add3A_99 = arith.constant 384 : i32
    %add3A_100 = arith.addi %mul3A_2, %add3A_99 : i32
    %dma_wait3A_101 = arith.constant 0 : i32
    %dma_wait3A_102 = tpu.memref_slice %arg4[%add3A_100, %dma_wait3A_101] : memref<16384x128xf32, #tpu.memory_space<hbm>> -> memref<128x128xf32, #tpu.memory_space<hbm>>
    %dma_wait3A_103 = arith.constant 0 : i32
    %dma_wait3A_104 = tpu.memref_slice %arg4[%add3A_100, %dma_wait3A_103] : memref<16384x128xf32, #tpu.memory_space<hbm>> -> memref<128x128xf32, #tpu.memory_space<hbm>>
    tpu.wait_dma2 semaphore(%arg11 : memref<!tpu.dma_semaphore, #tpu.memory_space<semaphore_mem>>) src(%arg7 : memref<128x128xf32, #tpu.memory_space<vmem>>) dst(%dma_wait3A_104 : memref<128x128xf32, #tpu.memory_space<hbm>>)
    return
  }
}

module attributes {stable_mosaic.version = 14 : i64} {
  func.func @_tr_body(%arg0: i32, %arg1: memref<64x8192xf32, #tpu.memory_space<vmem>>, %arg2: memref<64x8192xf32, #tpu.memory_space<vmem>>, %arg3: memref<64x8192xf32, #tpu.memory_space<vmem>>, %arg4: memref<64x8192xf32, #tpu.memory_space<vmem>>, %arg5: memref<8192x128xf32, #tpu.memory_space<vmem>>) attributes {dimension_semantics = [#tpu.dimension_semantics<arbitrary>], iteration_bounds = array<i64: 32>, scalar_prefetch = 0 : i64, scratch_operands = 0 : i64, tpu.core_type = #tpu.core_type<tc>, window_params = [{transform_indices = @transform_0, window_bounds = array<i64: 64, 8192>}, {transform_indices = @transform_1, window_bounds = array<i64: 64, 8192>}, {transform_indices = @transform_2, window_bounds = array<i64: 64, 8192>}, {transform_indices = @transform_3, window_bounds = array<i64: 64, 8192>}, {transform_indices = @transform_4, window_bounds = array<i64: 8192, 128>}]} {
    %get3A = arith.constant 0 : index
    %get3A_0 = arith.constant 0 : index
    %get3A_1 = vector.load %arg1[%get3A, %get3A_0] : memref<64x8192xf32, #tpu.memory_space<vmem>>, vector<64x8192xf32>
    %bitcast_convert_type3A = tpu.bitcast %get3A_1 : vector<64x8192xf32> -> vector<64x8192xi32>
    %add3A = arith.constant 32768 : i32
    %add3A_2 = vector.broadcast %add3A : i32 to vector<64x8192xi32>
    %add3A_3 = arith.addi %bitcast_convert_type3A, %add3A_2 : vector<64x8192xi32>
    %shift_right_arithmetic3A = arith.constant 16 : i32
    %shift_right_arithmetic3A_4 = vector.broadcast %shift_right_arithmetic3A : i32 to vector<64x8192xi32>
    %shift_right_arithmetic3A_5 = arith.shrsi %add3A_3, %shift_right_arithmetic3A_4 : vector<64x8192xi32>
    %slice3A = vector.extract_strided_slice %shift_right_arithmetic3A_5 {offsets = [0, 0], sizes = [32, 8192], strides = [1, 1]} : vector<64x8192xi32> to vector<32x8192xi32>
    %and3A = arith.constant 65535 : i32
    %and3A_6 = vector.broadcast %and3A : i32 to vector<32x8192xi32>
    %and3A_7 = arith.andi %slice3A, %and3A_6 : vector<32x8192xi32>
    %slice3A_8 = vector.extract_strided_slice %shift_right_arithmetic3A_5 {offsets = [32, 0], sizes = [32, 8192], strides = [1, 1]} : vector<64x8192xi32> to vector<32x8192xi32>
    %shift_left3A = arith.constant 16 : i32
    %shift_left3A_9 = vector.broadcast %shift_left3A : i32 to vector<32x8192xi32>
    %shift_left3A_10 = arith.shli %slice3A_8, %shift_left3A_9 : vector<32x8192xi32>
    %or3A = arith.ori %and3A_7, %shift_left3A_10 : vector<32x8192xi32>
    %get3A_11 = arith.constant 0 : index
    %get3A_12 = arith.constant 0 : index
    %get3A_13 = vector.load %arg2[%get3A_11, %get3A_12] : memref<64x8192xf32, #tpu.memory_space<vmem>>, vector<64x8192xf32>
    %bitcast_convert_type3A_14 = tpu.bitcast %get3A_13 : vector<64x8192xf32> -> vector<64x8192xi32>
    %add3A_15 = arith.constant 32768 : i32
    %add3A_16 = vector.broadcast %add3A_15 : i32 to vector<64x8192xi32>
    %add3A_17 = arith.addi %bitcast_convert_type3A_14, %add3A_16 : vector<64x8192xi32>
    %shift_right_arithmetic3A_18 = arith.constant 16 : i32
    %shift_right_arithmetic3A_19 = vector.broadcast %shift_right_arithmetic3A_18 : i32 to vector<64x8192xi32>
    %shift_right_arithmetic3A_20 = arith.shrsi %add3A_17, %shift_right_arithmetic3A_19 : vector<64x8192xi32>
    %slice3A_21 = vector.extract_strided_slice %shift_right_arithmetic3A_20 {offsets = [0, 0], sizes = [32, 8192], strides = [1, 1]} : vector<64x8192xi32> to vector<32x8192xi32>
    %and3A_22 = arith.constant 65535 : i32
    %and3A_23 = vector.broadcast %and3A_22 : i32 to vector<32x8192xi32>
    %and3A_24 = arith.andi %slice3A_21, %and3A_23 : vector<32x8192xi32>
    %slice3A_25 = vector.extract_strided_slice %shift_right_arithmetic3A_20 {offsets = [32, 0], sizes = [32, 8192], strides = [1, 1]} : vector<64x8192xi32> to vector<32x8192xi32>
    %shift_left3A_26 = arith.constant 16 : i32
    %shift_left3A_27 = vector.broadcast %shift_left3A_26 : i32 to vector<32x8192xi32>
    %shift_left3A_28 = arith.shli %slice3A_25, %shift_left3A_27 : vector<32x8192xi32>
    %or3A_29 = arith.ori %and3A_24, %shift_left3A_28 : vector<32x8192xi32>
    %get3A_30 = arith.constant 0 : index
    %get3A_31 = arith.constant 0 : index
    %get3A_32 = vector.load %arg3[%get3A_30, %get3A_31] : memref<64x8192xf32, #tpu.memory_space<vmem>>, vector<64x8192xf32>
    %bitcast_convert_type3A_33 = tpu.bitcast %get3A_32 : vector<64x8192xf32> -> vector<64x8192xi32>
    %add3A_34 = arith.constant 32768 : i32
    %add3A_35 = vector.broadcast %add3A_34 : i32 to vector<64x8192xi32>
    %add3A_36 = arith.addi %bitcast_convert_type3A_33, %add3A_35 : vector<64x8192xi32>
    %shift_right_arithmetic3A_37 = arith.constant 16 : i32
    %shift_right_arithmetic3A_38 = vector.broadcast %shift_right_arithmetic3A_37 : i32 to vector<64x8192xi32>
    %shift_right_arithmetic3A_39 = arith.shrsi %add3A_36, %shift_right_arithmetic3A_38 : vector<64x8192xi32>
    %slice3A_40 = vector.extract_strided_slice %shift_right_arithmetic3A_39 {offsets = [0, 0], sizes = [32, 8192], strides = [1, 1]} : vector<64x8192xi32> to vector<32x8192xi32>
    %and3A_41 = arith.constant 65535 : i32
    %and3A_42 = vector.broadcast %and3A_41 : i32 to vector<32x8192xi32>
    %and3A_43 = arith.andi %slice3A_40, %and3A_42 : vector<32x8192xi32>
    %slice3A_44 = vector.extract_strided_slice %shift_right_arithmetic3A_39 {offsets = [32, 0], sizes = [32, 8192], strides = [1, 1]} : vector<64x8192xi32> to vector<32x8192xi32>
    %shift_left3A_45 = arith.constant 16 : i32
    %shift_left3A_46 = vector.broadcast %shift_left3A_45 : i32 to vector<32x8192xi32>
    %shift_left3A_47 = arith.shli %slice3A_44, %shift_left3A_46 : vector<32x8192xi32>
    %or3A_48 = arith.ori %and3A_43, %shift_left3A_47 : vector<32x8192xi32>
    %get3A_49 = arith.constant 0 : index
    %get3A_50 = arith.constant 0 : index
    %get3A_51 = vector.load %arg4[%get3A_49, %get3A_50] : memref<64x8192xf32, #tpu.memory_space<vmem>>, vector<64x8192xf32>
    %bitcast_convert_type3A_52 = tpu.bitcast %get3A_51 : vector<64x8192xf32> -> vector<64x8192xi32>
    %add3A_53 = arith.constant 32768 : i32
    %add3A_54 = vector.broadcast %add3A_53 : i32 to vector<64x8192xi32>
    %add3A_55 = arith.addi %bitcast_convert_type3A_52, %add3A_54 : vector<64x8192xi32>
    %shift_right_arithmetic3A_56 = arith.constant 16 : i32
    %shift_right_arithmetic3A_57 = vector.broadcast %shift_right_arithmetic3A_56 : i32 to vector<64x8192xi32>
    %shift_right_arithmetic3A_58 = arith.shrsi %add3A_55, %shift_right_arithmetic3A_57 : vector<64x8192xi32>
    %slice3A_59 = vector.extract_strided_slice %shift_right_arithmetic3A_58 {offsets = [0, 0], sizes = [32, 8192], strides = [1, 1]} : vector<64x8192xi32> to vector<32x8192xi32>
    %and3A_60 = arith.constant 65535 : i32
    %and3A_61 = vector.broadcast %and3A_60 : i32 to vector<32x8192xi32>
    %and3A_62 = arith.andi %slice3A_59, %and3A_61 : vector<32x8192xi32>
    %slice3A_63 = vector.extract_strided_slice %shift_right_arithmetic3A_58 {offsets = [32, 0], sizes = [32, 8192], strides = [1, 1]} : vector<64x8192xi32> to vector<32x8192xi32>
    %shift_left3A_64 = arith.constant 16 : i32
    %shift_left3A_65 = vector.broadcast %shift_left3A_64 : i32 to vector<32x8192xi32>
    %shift_left3A_66 = arith.shli %slice3A_63, %shift_left3A_65 : vector<32x8192xi32>
    %or3A_67 = arith.ori %and3A_62, %shift_left3A_66 : vector<32x8192xi32>
    %concatenate3A = tpu.concatenate %or3A, %or3A_29, %or3A_48, %or3A_67 in 0 : vector<32x8192xi32>, vector<32x8192xi32>, vector<32x8192xi32>, vector<32x8192xi32> -> vector<128x8192xi32>
    %transpose3A = tpu.transpose %concatenate3A, [1, 0] : vector<128x8192xi32> -> vector<8192x128xi32>
    %bitcast_convert_type3A_68 = tpu.bitcast %transpose3A : vector<8192x128xi32> -> vector<8192x128xf32>
    %swap3A = arith.constant 0 : index
    %swap3A_69 = arith.constant 0 : index
    %swap3A_70 = vector.load %arg5[%swap3A, %swap3A_69] : memref<8192x128xf32, #tpu.memory_space<vmem>>, vector<8192x128xf32>
    tpu.vector_store %arg5[%swap3A, %swap3A_69], %bitcast_convert_type3A_68 {strides = array<i32>} : memref<8192x128xf32, #tpu.memory_space<vmem>>, vector<8192x128xf32>,
    return
  }
  func.func @transform_0(%arg0: i32) -> (i32, i32) {
    %add3A = arith.constant 0 : i32
    %add3A_0 = arith.addi %arg0, %add3A : i32
    %min3A = arith.constant 122 : i32
    %min3A_1 = arith.minsi %add3A_0, %min3A : i32
    %c0_i32 = arith.constant 0 : i32
    %c0_i32_2 = arith.constant 0 : i32
    return %c0_i32, %min3A_1 : i32, i32
  }
  func.func @transform_1(%arg0: i32) -> (i32, i32) {
    %add3A = arith.constant 32 : i32
    %add3A_0 = arith.addi %arg0, %add3A : i32
    %min3A = arith.constant 122 : i32
    %min3A_1 = arith.minsi %add3A_0, %min3A : i32
    %c0_i32 = arith.constant 0 : i32
    %c0_i32_2 = arith.constant 0 : i32
    return %c0_i32, %min3A_1 : i32, i32
  }
  func.func @transform_2(%arg0: i32) -> (i32, i32) {
    %add3A = arith.constant 64 : i32
    %add3A_0 = arith.addi %arg0, %add3A : i32
    %min3A = arith.constant 122 : i32
    %min3A_1 = arith.minsi %add3A_0, %min3A : i32
    %c0_i32 = arith.constant 0 : i32
    %c0_i32_2 = arith.constant 0 : i32
    return %c0_i32, %min3A_1 : i32, i32
  }
  func.func @transform_3(%arg0: i32) -> (i32, i32) {
    %add3A = arith.constant 96 : i32
    %add3A_0 = arith.addi %arg0, %add3A : i32
    %min3A = arith.constant 122 : i32
    %min3A_1 = arith.minsi %add3A_0, %min3A : i32
    %c0_i32 = arith.constant 0 : i32
    %c0_i32_2 = arith.constant 0 : i32
    return %c0_i32, %min3A_1 : i32, i32
  }
  func.func @transform_4(%arg0: i32) -> (i32, i32) {
    %c0_i32 = arith.constant 0 : i32
    %c0_i32_0 = arith.constant 0 : i32
    return %arg0, %c0_i32 : i32, i32
  }
}

module attributes {stable_mosaic.version = 14 : i64} {
  func.func @_mlp_body(%arg0: i32, %arg1: memref<4096x128xf32, #tpu.memory_space<vmem>>, %arg2: memref<4096x128xf32, #tpu.memory_space<vmem>>, %arg3: memref<4096x1xi32, #tpu.memory_space<vmem>>, %arg4: memref<4096x1xi32, #tpu.memory_space<vmem>>, %arg5: memref<128x128xf32, #tpu.memory_space<vmem>>, %arg6: memref<1x128xf32, #tpu.memory_space<vmem>>, %arg7: memref<128x64xf32, #tpu.memory_space<vmem>>, %arg8: memref<1x64xf32, #tpu.memory_space<vmem>>, %arg9: memref<1x64xf32, #tpu.memory_space<vmem>>, %arg10: memref<1x1xf32, #tpu.memory_space<vmem>>, %arg11: memref<4096x1xf32, #tpu.memory_space<vmem>>) attributes {dimension_semantics = [#tpu.dimension_semantics<arbitrary>], iteration_bounds = array<i64: 4>, scalar_prefetch = 0 : i64, scratch_operands = 0 : i64, tpu.core_type = #tpu.core_type<tc>, window_params = [{transform_indices = @transform_0, window_bounds = array<i64: 4096, 128>}, {transform_indices = @transform_1, window_bounds = array<i64: 4096, 128>}, {transform_indices = @transform_2, window_bounds = array<i64: 4096, 1>}, {transform_indices = @transform_3, window_bounds = array<i64: 4096, 1>}, {pipeline_mode = #tpu.pipeline_mode<synchronous>, transform_indices = @transform_4, window_bounds = array<i64: 128, 128>}, {pipeline_mode = #tpu.pipeline_mode<synchronous>, transform_indices = @transform_5, window_bounds = array<i64: 1, 128>}, {pipeline_mode = #tpu.pipeline_mode<synchronous>, transform_indices = @transform_6, window_bounds = array<i64: 128, 64>}, {pipeline_mode = #tpu.pipeline_mode<synchronous>, transform_indices = @transform_7, window_bounds = array<i64: 1, 64>}, {pipeline_mode = #tpu.pipeline_mode<synchronous>, transform_indices = @transform_8, window_bounds = array<i64: 1, 64>}, {pipeline_mode = #tpu.pipeline_mode<synchronous>, transform_indices = @transform_9, window_bounds = array<i64: 1, 1>}, {transform_indices = @transform_10, window_bounds = array<i64: 4096, 1>}]} {
    %get3A = arith.constant 0 : index
    %get3A_0 = arith.constant 0 : index
    %get3A_1 = vector.load %arg1[%get3A, %get3A_0] : memref<4096x128xf32, #tpu.memory_space<vmem>>, vector<4096x128xf32>
    %get3A_2 = arith.constant 0 : index
    %get3A_3 = arith.constant 0 : index
    %get3A_4 = vector.load %arg3[%get3A_2, %get3A_3] : memref<4096x1xi32, #tpu.memory_space<vmem>>, vector<4096x1xi32>
    %iota3A = tpu.iota {dimensions = array<i32: 1>} : vector<4096x128xi32>
    %shift_right_arithmetic3A = arith.constant 5 : i32
    %shift_right_arithmetic3A_5 = vector.broadcast %shift_right_arithmetic3A : i32 to vector<4096x128xi32>
    %shift_right_arithmetic3A_6 = arith.shrsi %iota3A, %shift_right_arithmetic3A_5 : vector<4096x128xi32>
    %eq3A = vector.broadcast %get3A_4 : vector<4096x1xi32> to vector<4096x128xi32>
    %eq3A_7 = arith.cmpi eq, %shift_right_arithmetic3A_6, %eq3A : vector<4096x128xi32>
    %bitcast_convert_type3A = tpu.bitcast %get3A_1 : vector<4096x128xf32> -> vector<4096x128xi32>
    %jit3A = arith.constant 0 : i32
    %broadcast_in_dim3A = vector.broadcast %jit3A : i32 to vector<4096x128xi32>
    %select_n3A = arith.select %eq3A_7, %bitcast_convert_type3A, %broadcast_in_dim3A : vector<4096x128xi1>, vector<4096x128xi32>
    %slice3A = vector.extract_strided_slice %select_n3A {offsets = [0, 0], sizes = [4096, 32], strides = [1, 1]} : vector<4096x128xi32> to vector<4096x32xi32>
    %slice3A_8 = vector.extract_strided_slice %select_n3A {offsets = [0, 32], sizes = [4096, 32], strides = [1, 1]} : vector<4096x128xi32> to vector<4096x32xi32>
    %or3A = arith.ori %slice3A, %slice3A_8 : vector<4096x32xi32>
    %slice3A_9 = vector.extract_strided_slice %select_n3A {offsets = [0, 64], sizes = [4096, 32], strides = [1, 1]} : vector<4096x128xi32> to vector<4096x32xi32>
    %or3A_10 = arith.ori %or3A, %slice3A_9 : vector<4096x32xi32>
    %slice3A_11 = vector.extract_strided_slice %select_n3A {offsets = [0, 96], sizes = [4096, 32], strides = [1, 1]} : vector<4096x128xi32> to vector<4096x32xi32>
    %or3A_12 = arith.ori %or3A_10, %slice3A_11 : vector<4096x32xi32>
    %shift_left3A = arith.constant 16 : i32
    %shift_left3A_13 = vector.broadcast %shift_left3A : i32 to vector<4096x32xi32>
    %shift_left3A_14 = arith.shli %or3A_12, %shift_left3A_13 : vector<4096x32xi32>
    %bitcast_convert_type3A_15 = tpu.bitcast %shift_left3A_14 : vector<4096x32xi32> -> vector<4096x32xf32>
    %and3A = arith.constant -65536 : i32
    %and3A_16 = vector.broadcast %and3A : i32 to vector<4096x32xi32>
    %and3A_17 = arith.andi %or3A_12, %and3A_16 : vector<4096x32xi32>
    %bitcast_convert_type3A_18 = tpu.bitcast %and3A_17 : vector<4096x32xi32> -> vector<4096x32xf32>
    %get3A_19 = arith.constant 0 : index
    %get3A_20 = arith.constant 0 : index
    %get3A_21 = vector.load %arg2[%get3A_19, %get3A_20] : memref<4096x128xf32, #tpu.memory_space<vmem>>, vector<4096x128xf32>
    %get3A_22 = arith.constant 0 : index
    %get3A_23 = arith.constant 0 : index
    %get3A_24 = vector.load %arg4[%get3A_22, %get3A_23] : memref<4096x1xi32, #tpu.memory_space<vmem>>, vector<4096x1xi32>
    %iota3A_25 = tpu.iota {dimensions = array<i32: 1>} : vector<4096x128xi32>
    %shift_right_arithmetic3A_26 = arith.constant 5 : i32
    %shift_right_arithmetic3A_27 = vector.broadcast %shift_right_arithmetic3A_26 : i32 to vector<4096x128xi32>
    %shift_right_arithmetic3A_28 = arith.shrsi %iota3A_25, %shift_right_arithmetic3A_27 : vector<4096x128xi32>
    %eq3A_29 = vector.broadcast %get3A_24 : vector<4096x1xi32> to vector<4096x128xi32>
    %eq3A_30 = arith.cmpi eq, %shift_right_arithmetic3A_28, %eq3A_29 : vector<4096x128xi32>
    %bitcast_convert_type3A_31 = tpu.bitcast %get3A_21 : vector<4096x128xf32> -> vector<4096x128xi32>
    %jit3A_32 = arith.constant 0 : i32
    %broadcast_in_dim3A_33 = vector.broadcast %jit3A_32 : i32 to vector<4096x128xi32>
    %select_n3A_34 = arith.select %eq3A_30, %bitcast_convert_type3A_31, %broadcast_in_dim3A_33 : vector<4096x128xi1>, vector<4096x128xi32>
    %slice3A_35 = vector.extract_strided_slice %select_n3A_34 {offsets = [0, 0], sizes = [4096, 32], strides = [1, 1]} : vector<4096x128xi32> to vector<4096x32xi32>
    %slice3A_36 = vector.extract_strided_slice %select_n3A_34 {offsets = [0, 32], sizes = [4096, 32], strides = [1, 1]} : vector<4096x128xi32> to vector<4096x32xi32>
    %or3A_37 = arith.ori %slice3A_35, %slice3A_36 : vector<4096x32xi32>
    %slice3A_38 = vector.extract_strided_slice %select_n3A_34 {offsets = [0, 64], sizes = [4096, 32], strides = [1, 1]} : vector<4096x128xi32> to vector<4096x32xi32>
    %or3A_39 = arith.ori %or3A_37, %slice3A_38 : vector<4096x32xi32>
    %slice3A_40 = vector.extract_strided_slice %select_n3A_34 {offsets = [0, 96], sizes = [4096, 32], strides = [1, 1]} : vector<4096x128xi32> to vector<4096x32xi32>
    %or3A_41 = arith.ori %or3A_39, %slice3A_40 : vector<4096x32xi32>
    %shift_left3A_42 = arith.constant 16 : i32
    %shift_left3A_43 = vector.broadcast %shift_left3A_42 : i32 to vector<4096x32xi32>
    %shift_left3A_44 = arith.shli %or3A_41, %shift_left3A_43 : vector<4096x32xi32>
    %bitcast_convert_type3A_45 = tpu.bitcast %shift_left3A_44 : vector<4096x32xi32> -> vector<4096x32xf32>
    %and3A_46 = arith.constant -65536 : i32
    %and3A_47 = vector.broadcast %and3A_46 : i32 to vector<4096x32xi32>
    %and3A_48 = arith.andi %or3A_41, %and3A_47 : vector<4096x32xi32>
    %bitcast_convert_type3A_49 = tpu.bitcast %and3A_48 : vector<4096x32xi32> -> vector<4096x32xf32>
    %concatenate3A = tpu.concatenate %bitcast_convert_type3A_15, %bitcast_convert_type3A_18, %bitcast_convert_type3A_45, %bitcast_convert_type3A_49 in 1 : vector<4096x32xf32>, vector<4096x32xf32>, vector<4096x32xf32>, vector<4096x32xf32> -> vector<4096x128xf32>
    %get3A_50 = arith.constant 0 : index
    %get3A_51 = arith.constant 0 : index
    %get3A_52 = vector.load %arg5[%get3A_50, %get3A_51] : memref<128x128xf32, #tpu.memory_space<vmem>>, vector<128x128xf32>
    %dot_general3A = arith.constant dense<0.000000e+00> : vector<4096x128xf32>
    %dot_general3A_53 = tpu.matmul %concatenate3A, %get3A_52, %dot_general3A {dimension_numbers = #tpu.dot_dimension_numbers<[1], [0], [0], [1], [0, 0, 1, 1], [], []>, transpose_lhs_hint = false} : vector<4096x128xf32>, vector<128x128xf32>, vector<4096x128xf32> -> vector<4096x128xf32>
    %get3A_54 = arith.constant 0 : index
    %get3A_55 = arith.constant 0 : index
    %get3A_56 = vector.load %arg6[%get3A_54, %get3A_55] : memref<1x128xf32, #tpu.memory_space<vmem>>, vector<1x128xf32>
    %add3A = vector.broadcast %get3A_56 : vector<1x128xf32> to vector<4096x128xf32>
    %add3A_57 = arith.addf %dot_general3A_53, %add3A : vector<4096x128xf32>
    %max3A = arith.constant 0.000000e+00 : f32
    %max3A_58 = vector.broadcast %max3A : f32 to vector<4096x128xf32>
    %max3A_59 = arith.maximumf %add3A_57, %max3A_58 : vector<4096x128xf32>
    %get3A_60 = arith.constant 0 : index
    %get3A_61 = arith.constant 0 : index
    %get3A_62 = vector.load %arg7[%get3A_60, %get3A_61] : memref<128x64xf32, #tpu.memory_space<vmem>>, vector<128x64xf32>
    %dot_general3A_63 = arith.constant dense<0.000000e+00> : vector<4096x64xf32>
    %dot_general3A_64 = tpu.matmul %max3A_59, %get3A_62, %dot_general3A_63 {dimension_numbers = #tpu.dot_dimension_numbers<[1], [0], [0], [1], [0, 0, 1, 1], [], []>, transpose_lhs_hint = false} : vector<4096x128xf32>, vector<128x64xf32>, vector<4096x64xf32> -> vector<4096x64xf32>
    %get3A_65 = arith.constant 0 : index
    %get3A_66 = arith.constant 0 : index
    %get3A_67 = vector.load %arg8[%get3A_65, %get3A_66] : memref<1x64xf32, #tpu.memory_space<vmem>>, vector<1x64xf32>
    %add3A_68 = vector.broadcast %get3A_67 : vector<1x64xf32> to vector<4096x64xf32>
    %add3A_69 = arith.addf %dot_general3A_64, %add3A_68 : vector<4096x64xf32>
    %max3A_70 = arith.constant 0.000000e+00 : f32
    %max3A_71 = vector.broadcast %max3A_70 : f32 to vector<4096x64xf32>
    %max3A_72 = arith.maximumf %add3A_69, %max3A_71 : vector<4096x64xf32>
    %get3A_73 = arith.constant 0 : index
    %get3A_74 = arith.constant 0 : index
    %get3A_75 = vector.load %arg9[%get3A_73, %get3A_74] : memref<1x64xf32, #tpu.memory_space<vmem>>, vector<1x64xf32>
    %mul3A = vector.broadcast %get3A_75 : vector<1x64xf32> to vector<4096x64xf32>
    %mul3A_76 = arith.mulf %max3A_72, %mul3A : vector<4096x64xf32>
    %reduce_sum3A = arith.constant dense<0.000000e+00> : vector<4096xf32>
    %reduce_sum3A_77 = vector.multi_reduction <add>, %mul3A_76, %reduce_sum3A [1] : vector<4096x64xf32> to vector<4096xf32>
    %broadcast_in_dim3A_78 = vector.shape_cast %reduce_sum3A_77 : vector<4096xf32> to vector<4096x1xf32>
    %get3A_79 = arith.constant 0 : index
    %get3A_80 = arith.constant 0 : index
    %get3A_81 = vector.load %arg10[%get3A_79, %get3A_80] : memref<1x1xf32, #tpu.memory_space<vmem>>, vector<1x1xf32>
    %add3A_82 = vector.broadcast %get3A_81 : vector<1x1xf32> to vector<4096x1xf32>
    %add3A_83 = arith.addf %broadcast_in_dim3A_78, %add3A_82 : vector<4096x1xf32>
    %logistic3A = arith.negf %add3A_83 : vector<4096x1xf32>
    %logistic3A_84 = math.exp %logistic3A : vector<4096x1xf32>
    %logistic3A_85 = arith.constant 1.000000e+00 : f32
    %logistic3A_86 = vector.broadcast %logistic3A_85 : f32 to vector<4096x1xf32>
    %logistic3A_87 = arith.addf %logistic3A_86, %logistic3A_84 : vector<4096x1xf32>
    %logistic3A_88 = arith.divf %logistic3A_86, %logistic3A_87 : vector<4096x1xf32>
    %swap3A = arith.constant 0 : index
    %swap3A_89 = arith.constant 0 : index
    %swap3A_90 = vector.load %arg11[%swap3A, %swap3A_89] : memref<4096x1xf32, #tpu.memory_space<vmem>>, vector<4096x1xf32>
    tpu.vector_store %arg11[%swap3A, %swap3A_89], %logistic3A_88 {strides = array<i32>} : memref<4096x1xf32, #tpu.memory_space<vmem>>, vector<4096x1xf32>,
    return
  }
  func.func @transform_0(%arg0: i32) -> (i32, i32) {
    %c0_i32 = arith.constant 0 : i32
    %c0_i32_0 = arith.constant 0 : i32
    return %arg0, %c0_i32 : i32, i32
  }
  func.func @transform_1(%arg0: i32) -> (i32, i32) {
    %c0_i32 = arith.constant 0 : i32
    %c0_i32_0 = arith.constant 0 : i32
    return %arg0, %c0_i32 : i32, i32
  }
  func.func @transform_2(%arg0: i32) -> (i32, i32) {
    %c0_i32 = arith.constant 0 : i32
    %c0_i32_0 = arith.constant 0 : i32
    return %arg0, %c0_i32 : i32, i32
  }
  func.func @transform_3(%arg0: i32) -> (i32, i32) {
    %c0_i32 = arith.constant 0 : i32
    %c0_i32_0 = arith.constant 0 : i32
    return %arg0, %c0_i32 : i32, i32
  }
  func.func @transform_4(%arg0: i32) -> (i32, i32) {
    %c0_i32 = arith.constant 0 : i32
    %c0_i32_0 = arith.constant 0 : i32
    %c0_i32_1 = arith.constant 0 : i32
    return %c0_i32, %c0_i32_0 : i32, i32
  }
  func.func @transform_5(%arg0: i32) -> (i32, i32) {
    %c0_i32 = arith.constant 0 : i32
    %c0_i32_0 = arith.constant 0 : i32
    %c0_i32_1 = arith.constant 0 : i32
    return %c0_i32, %c0_i32_0 : i32, i32
  }
  func.func @transform_6(%arg0: i32) -> (i32, i32) {
    %c0_i32 = arith.constant 0 : i32
    %c0_i32_0 = arith.constant 0 : i32
    %c0_i32_1 = arith.constant 0 : i32
    return %c0_i32, %c0_i32_0 : i32, i32
  }
  func.func @transform_7(%arg0: i32) -> (i32, i32) {
    %c0_i32 = arith.constant 0 : i32
    %c0_i32_0 = arith.constant 0 : i32
    %c0_i32_1 = arith.constant 0 : i32
    return %c0_i32, %c0_i32_0 : i32, i32
  }
  func.func @transform_8(%arg0: i32) -> (i32, i32) {
    %c0_i32 = arith.constant 0 : i32
    %c0_i32_0 = arith.constant 0 : i32
    %c0_i32_1 = arith.constant 0 : i32
    return %c0_i32, %c0_i32_0 : i32, i32
  }
  func.func @transform_9(%arg0: i32) -> (i32, i32) {
    %c0_i32 = arith.constant 0 : i32
    %c0_i32_0 = arith.constant 0 : i32
    %c0_i32_1 = arith.constant 0 : i32
    return %c0_i32, %c0_i32_0 : i32, i32
  }
  func.func @transform_10(%arg0: i32) -> (i32, i32) {
    %c0_i32 = arith.constant 0 : i32
    %c0_i32_0 = arith.constant 0 : i32
    return %arg0, %c0_i32 : i32, i32
  }
}

</mosaic_0001>

<sc_bundles>
// kernel: kernel.10.cloned.1.call-start
scs
__scs_entry_jumppad:
0x0: {  	(pc) =	sbr.rel $0x88, $3  }
0x1: {  	(tag) =	ssettag $0x0;
	lr =	simm.s32 $0x1  }
0x2: {  	[smem:$0x3F97] =	sst lr;
	_ =	strace $0xD0000000  }
0x3: {  	_ = 	snop  }
0x4: {  	_ = 	snop  }
0x5: {  	_ = 	snop  }
0x6: {  	_ = 	snop  }
0x7: {  	_ = 	snop  }
__scs_overlays_trampoline_lowered:
0x8: {  	[smem:$0x3FA6] =	sst s0  }
0x9: {  	[smem:$0x3FA7] =	sst s1  }
0xa: {  	[smem:$0x3FA8] =	sst s2  }
0xb: {  	[smem:$0x3FA9] =	sst s3  }
0xc: {  	[smem:$0x3FAA] =	sst s4  }
0xd: {  	[smem:$0x3FAB] =	sst s5  }
0xe: {  	[smem:$0x3FAC] =	sst s6  }
0xf: {  	[smem:$0x3FAD] =	sst s7  }
0x10: {  	[smem:$0x3FAE] =	sst s8  }
0x11: {  	[smem:$0x3FAF] =	sst s9;
	s0 =	simm.s32 @!p0 $0x0  }
0x12: {  	s1 =	sld [smem:$0x3F95];
	s0 =	simm.s32 @p0 $0x1  }
0x13: {  	[smem:$0x3FB0] =	sst s0;
	s0 =	simm.s32 @!p1 $0x0  }
0x14: {  	s2 =	sld [smem:$0x3F94];
	s0 =	simm.s32 @p1 $0x1  }
0x15: {  	[smem:$0x3FB1] =	sst s0;
	s0 =	simm.s32 @!p2 $0x0  }
0x16: {  	s3 =	sld [smem:$0x3FDB];
	s0 =	simm.s32 @p2 $0x1  }
0x17: {  	s4 =	simm.s32 $0x1BF5;
	[smem:$0x3FB3] =	sst s0  }
0x18: {  	s0 =	sld [smem:$0x3F96];
	_ =	swait.ge [sflag:s4], $0x0  }
0x19: {  	s7 =	sld [smem:$0x3F97]  }
0x1a: {  	s8 =	sadd.s32 $0xFFFFE003, lr  }
0x1b: {  	s9 =	sadd.s32 $0xFFFFFEF7, lr;
	s5 =	simm.s32 $0xFFFFFFFF;
	p2 =	slt.u32 s8, $0xFFFFF086  }
0x1c: {  	p1 =	slt.u32 s9, $0xF7A;
	s5 =	simm.s32 @!p2 $0x0  }
0x1d: {  	s5 =	simm.s32 @p1 $0x1;
	p0 =	seq.s32 s7, s2  }
0x1e: {  	s7 =	smul.u32 @!p0 $0xF7A, s2;
	p2 =	seq.s32 @!p0 s5, $0x0  }
0x1f: {  	s9 =	smul.u32 $0xF7A, s1;
	s8 =	simm.s32 @!p0 $0x1BF5;
	p2 =	por !p2, p0  }
0x20: {  	[sflag:s8] =	ssyncset.s32 @!p0 $0xFFFFF086;
	s6 =	sadd.s32 @!p0 s3, s7;
	s7 =	simm.s32 @!p0 $0x108  }
0x21: {  	s3 =	sadd.s32 s3, s9;
	s6 =	sadd.s32 @!p0 $0x88, s6;
	s7 =	simm.s32 @p2 $0x1082  }
0x22: {  	[simem:s7], [sflag:s8] =	dma.local @!p0 [hbm:s6], $0xF7A  }
0x23: {  	s9 =	sor.u32 $0xD0000000, s2;
	s6 =	simm.s32 $0x108;
	_ =	swait.ge @!p0 [sflag:s8], $0x0  }
0x24: {  	s3 =	sadd.s32 $0x88, s3;
	s6 =	simm.s32 @!p1 $0x1082;
	[sflag:s4] =	ssyncset.s32 $0xFFFFF086  }
0x25: {  	[simem:s6], [sflag:s4] =	dma.local [hbm:s3], $0xF7A  }
0x26: {  	[smem:$0x3F97] =	sst s1;
	(tag) =	ssettag s2;
	_ =	strace s9  }
0x27: {  	s1 =	sld [smem:$0x3FA7]  }
0x28: {  	s2 =	sld [smem:$0x3FA8]  }
0x29: {  	s4 =	sld [smem:$0x3FAA]  }
0x2a: {  	p0 =	seq.s32 s5, $0x0;
	s5 =	sld [smem:$0x3FAB]  }
0x2b: {  	s6 =	sld [smem:$0x3FAC]  }
0x2c: {  	s7 =	sld [smem:$0x3FAD]  }
0x2d: {  	s3 =	simm.s32 $0x108;
	s8 =	sld [smem:$0x3FAE]  }
0x2e: {  	s3 =	simm.s32 @!p0 $0x1082;
	s9 =	sld [smem:$0x3FAF]  }
0x2f: {  	lr =	sadd.s32 s0, s3;
	s0 =	sld [smem:$0x3FA6]  }
0x30: {  	s3 =	sld [smem:$0x3FA9]  }
0x31: {  	[smem:$0x3FB2] =	sst s10  }
0x32: {  	s10 =	sld [smem:$0x3FB0];
	_ =	sdelay $0x3  }
0x33: {  	p0 =	seq.s32 s10, $0x1;
	s10 =	sld [smem:$0x3FB2];
	_ =	sdelay $0x3  }
0x34: {  	[smem:$0x3FB2] =	sst s10  }
0x35: {  	s10 =	sld [smem:$0x3FB1];
	_ =	sdelay $0x3  }
0x36: {  	p1 =	seq.s32 s10, $0x1;
	s10 =	sld [smem:$0x3FB2];
	_ =	sdelay $0x3  }
0x37: {  	[smem:$0x3FB2] =	sst s10  }
0x38: {  	s10 =	sld [smem:$0x3FB3]  }
0x39: {  	_ = 	snop;
	(pc) =	sbr.ind lr, $3  }
0x3a: {  	_ = 	snop  }
0x3b: {  	_ = 	snop  }
0x3c: {  	p2 =	seq.s32 s10, $0x1;
	s10 =	sld [smem:$0x3FB2]  }
0x3d: {  	_ =	shalt  }
0x3e: {  	_ =	shalt  }
0x3f: {  	_ =	shalt  }
0x40: {  	_ =	shalt  }
0x41: {  	_ =	shalt  }
0x42: {  	_ =	shalt  }
0x43: {  	_ =	shalt  }
0x44: {  	_ =	shalt  }
0x45: {  	_ =	shalt  }
0x46: {  	_ =	shalt  }
0x47: {  	_ =	shalt  }
0x48: {  	_ =	shalt  }
0x49: {  	_ =	shalt  }
0x4a: {  	_ =	shalt  }
0x4b: {  	_ =	shalt  }
0x4c: {  	_ =	shalt  }
0x4d: {  	_ =	shalt  }
0x4e: {  	_ =	shalt  }
0x4f: {  	_ =	shalt  }
0x50: {  	_ =	shalt  }
0x51: {  	_ =	shalt  }
0x52: {  	_ =	shalt  }
0x53: {  	_ =	shalt  }
0x54: {  	_ =	shalt  }
0x55: {  	_ =	shalt  }
0x56: {  	_ =	shalt  }
0x57: {  	_ =	shalt  }
0x58: {  	_ =	shalt  }
0x59: {  	_ =	shalt  }
0x5a: {  	_ =	shalt  }
0x5b: {  	_ =	shalt  }
0x5c: {  	_ =	shalt  }
0x5d: {  	_ =	shalt  }
0x5e: {  	_ =	shalt  }
0x5f: {  	_ =	shalt  }
0x60: {  	_ =	shalt  }
0x61: {  	_ =	shalt  }
0x62: {  	_ =	shalt  }
0x63: {  	_ =	shalt  }
0x64: {  	_ =	shalt  }
0x65: {  	_ =	shalt  }
0x66: {  	_ =	shalt  }
0x67: {  	_ =	shalt  }
0x68: {  	_ =	shalt  }
0x69: {  	_ =	shalt  }
0x6a: {  	_ =	shalt  }
0x6b: {  	_ =	shalt  }
0x6c: {  	_ =	shalt  }
0x6d: {  	_ =	shalt  }
0x6e: {  	_ =	shalt  }
0x6f: {  	_ =	shalt  }
0x70: {  	_ =	shalt  }
0x71: {  	_ =	shalt  }
0x72: {  	_ =	shalt  }
0x73: {  	_ =	shalt  }
0x74: {  	_ =	shalt  }
0x75: {  	_ =	shalt  }
0x76: {  	_ =	shalt  }
0x77: {  	_ =	shalt  }
0x78: {  	_ =	shalt  }
0x79: {  	_ =	shalt  }
0x7a: {  	_ =	shalt  }
0x7b: {  	_ =	shalt  }
0x7c: {  	_ =	shalt  }
0x7d: {  	_ =	shalt  }
0x7e: {  	_ =	shalt  }
0x7f: {  	_ =	shalt  }
0x80: {  	_ =	shalt  }
0x81: {  	_ =	shalt  }
0x82: {  	_ =	shalt  }
0x83: {  	_ =	shalt  }
0x84: {  	_ =	shalt  }
0x85: {  	_ =	shalt  }
0x86: {  	_ =	shalt  }
0x87: {  	_ =	shalt  }
.Lfunc_end0:
.L_simem_size_0:
called_computation.1_lowered:
.L_overlay_start_0:
0x88: {  	s2 =	sld [smem:$0x3FD9]  }
0x89: {  	s3 =	sld [smem:$0x3FFE];
	_ =	sdelay $0x1  }
0x8a: {  	s1 =	srdreg.scid  }
0x8b: {  	s0 =	sand.u32 $0x1, s1  }
0x8c: {  	s16 =	sshll.u32 s0, $0xA;
	s2 =	sadd.s32 s3, s2  }
0x8d: {  	s2 =	sadd.s32 s2, s16  }
0x8e: {  	[smem:$0x3FBE] =	sst s2  }
0x8f: {  	_ = 	snop  }
0x90: {  	(tm) =	ssettm $0x1  }
0x91: {  	s17 =	sld [smem:$0x3FFB];
	_ =	sdelay $0x3  }
0x92: {  	_ =	strace s17  }
0x93: {  	s2 =	sld [smem:$0x3FFC];
	_ =	sdelay $0x3  }
0x94: {  	_ =	strace s2  }
0x95: {  	s2 =	sld [smem:$0x3FFD];
	_ =	sdelay $0x3  }
0x96: {  	_ =	strace s2  }
0x97: {  	_ =	strace $0x8FFFFFFF  }
0x98: {  	s18 =	sld [smem:$0x3FDB];
	_ =	sdelay $0x1  }
0x99: {  	s19 =	simm.s32 $_scs_section_size  }
0x9a: {  	s4 =	simm.s32 $_size__tile_overlayer_lowered;
	s5 =	simm.s32 $_tile_overlayer_lowered  }
0x9b: {  	s22 =	simm.s32 $0x1BFF;
	s21 =	sshll.u32 s5, $0x1;
	s2 =	sadd.s32 s19, s18  }
0x9c: {  	s6 =	simm.s32 $0x0;
	s20 =	sshll.u32 s4, $0x1;
	s4 =	sadd.s32 s21, s2  }
0x9d: {  	[timem:s6], [sflag:s22] =	dma.local [hbm:s4], s20  }
0x9e: {  	_ =	swait.ge [sflag:s22], s20  }
0x9f: {  	s3 =	ssub.s32 $0x0, s20;
	[sflag:s22] =	ssyncset.done $0x0  }
0xa0: {  	[sflag:s22] =	ssyncadd.s32 s3;
	_ =	sdelay $0x1  }
0xa1: {  	s23 =	simm.s32 $0x1B8B  }
0xa2: {  	_ =	swait.ge [sflag:s23], $0x1  }
0xa3: {  	[sflag:s23] =	ssyncset.done $0x0  }
0xa4: {  	s25 =	simm.s32 $0x1B8E;
	s24 =	sld [smem:$0x3FFE];
	[sflag:s23] =	ssyncadd.s32 $0xFFFFFFFF  }
0xa5: {  	s26 =	simm.s32 $execute0_lowered;
	[smem:$0x3FD2] =	sst s25  }
0xa6: {  	s4 =	sshll.u32 s26, $0x1;
	_ =	strace $0x80000046;
	[dreg:$0x1] =	wrdreg $0xFFFFFFFF  }
0xa7: {  	s28 =	simm.s32 $_size_execute0_lowered;
	s2 =	sadd.s32 s2, s4;
	[dreg:$0x0] =	wrdreg $0x0  }
0xa8: {  	s4 =	sshll.u32 s28, $0x1;
	[dreg:$0x2] =	wrdreg s2  }
0xa9: {  	[dreg:$0x3] =	wrdreg s4  }
0xaa: {  	[dreg:$0x4] =	wrdreg $0xC0  }
0xab: {  	_ =	task [dreg:s6], $0x5FFFF  }
0xac: {  	[dreg:$0x1] =	wrdreg $0xFFFFFFFF  }
0xad: {  	[dreg:$0x0] =	wrdreg $0x60  }
0xae: {  	[dreg:$0x2] =	wrdreg s24  }
0xaf: {  	[dreg:$0x3] =	wrdreg $0xA  }
0xb0: {  	_ =	task.clear_ibuf [dreg:s6], $0x4FFFF;
	_ =	strace $0x90000046  }
0xb1: {  	s29 =	simm.s32 $0xA;
	_ =	strace $0x80000048  }
0xb2: {  	_ =	swait.ge [sflag:s29], $0x1  }
0xb3: {  	[sflag:s29] =	ssyncadd.s32 $0xFFFFFFFF  }
0xb4: {  	_ =	strace $0x90000048  }
0xb5: {  	_ =	sfence  }
0xb6: {  	s30 =	sld [smem:$0x0];
	_ =	sdelay $0x2  }
0xb7: {  	s31 =	sshll.u32 s1, $0xD;
	s1 =	sshrl.u32 s1, $0x2  }
0xb8: {  	s3 =	sand.u32 $0x4000, s31;
	s1 =	sadd.s32 s1, s30  }
0xb9: {  	s0 =	sor.u32 s3, s0;
	s1 =	sshll.u32 s1, $0x11  }
0xba: {  	s0 =	sor.u32 s1, s0  }
0xbb: {  	s0 =	sadd.s32 $0x8F2B, s0  }
0xbc: {  	[sflag:s0] =	ssyncadd.remote.s32 $0x1  }
0xbd: {  	_ =	sfence.sel $0xFFFF  }
0xbe: {  	[dreg:$0x0] =	wrdreg $0xFFFFFFFF;
	(pc) =	sbr.abs _section_cstart, $3  }
0xbf: {  	[dreg:$0x1] =	wrdreg $0xFFFFFFFF  }
0xc0: {  	_ =	task.clear_ibuf [dreg:s6], $0x2FFFF;
	_ =	strace $0x9FFFFFFF  }
0xc1: {  	(tm) =	ssettm $0x7FFFFFFF  }
tec
execute0_lowered:
.L_overlay_start_1:
0x0: {  	(tag) =	ssettag $0x1  }
0x1: {  	s1 =	srdreg.scid  }
0x2: {  	s0 =	stileid.u32;
	s18 =	sand.u32 $0x1, s1  }
0x3: {  	s30 =	sshll.u32 s0, $0xA;
	s2 =	sshll.u32 s18, $0x9  }
0x4: {  	s11 =	sor.u32 s2, s30  }
0x5: {  	s10 =	rddreg [dreg:$0x0];
	s2 =	simm.s32 $0x0;
	s3 =	sshrl.u32 s11, $0x3  }
0x6: {  	s4 =	simm.s32 $0x5;
	[smem:$0x7FF] =	sst s2;
	s3 =	sadd.s32 s3, s10  }
0x7: {  	s1 =	rddreg [dreg:$0x1];
	_ =	strace $0x80000047;
	s3 =	sadd.s32 $0x2000, s3  }
0x8: {  	[tilespmem:s2], [sflag:$0x5] =	stream.linear.gather [hbm4b:s3+s2], $0x200, $0x38;
	[tilespmem:$0x8200] =	vst v63  }
0x9: {  	_ =	swait.ge [sflag:s4], $0x200  }
0xa: {  	s6 =	simm.s32 $0x80;
	[sflag:s4] =	ssyncset.done $0x0  }
0xb: {  	s7 =	simm.s32 $0x200;
	s5 =	sadd.s32 $0x2800, s10;
	[sflag:s4] =	ssyncadd.s32 $0xFFFFFE00  }
0xc: {  	[tilespmem:s7], [sflag:$0x1] =	stream.indirect.gather [hbm4b:s5+s6], $0x80, s2, s6, $0xb8;
	[tilespmem:$0x8200] =	vst v63  }
0xd: {  	s8 =	simm.s32 $0x4200;
	s9 =	simm.s32 $0x1  }
0xe: {  	[tilespmem:s8], [sflag:$0x2] =	stream.indirect.gather [hbm4b:s5+s6], $0x80, s6, s6, $0xb8;
	[tilespmem:$0x8200] =	vst v63  }
0xf: {  	s11 =	sshll.u32 s11, $0x4;
	_ =	swait.ge [sflag:s9], $0x4000  }
0x10: {  	s19 =	sadd.s32 s11, s10;
	[sflag:s9] =	ssyncset.done $0x0  }
0x11: {  	s11 =	simm.s32 $0x2;
	s10 =	sadd.s32 $0x402800, s19;
	[sflag:s9] =	ssyncadd.s32 $0xFFFFC000  }
0x12: {  	[hbm4b:s10+s2] =	stream.linear.scatter [tilespmem:s7], [sflag:$0x3], $0x4000, $0x38;
	[tilespmem:$0x8200] =	vst v63  }
0x13: {  	_ =	swait.ge [sflag:s11], $0x4000  }
0x14: {  	[sflag:s11] =	ssyncset.done $0x0  }
0x15: {  	s13 =	simm.s32 $0x3;
	s12 =	sadd.s32 $0x403000, s19;
	[sflag:s11] =	ssyncadd.s32 $0xFFFFC000  }
0x16: {  	[hbm4b:s12+s2] =	stream.linear.scatter [tilespmem:s8], [sflag:$0x4], $0x4000, $0x38;
	[tilespmem:$0x8200] =	vst v63  }
0x17: {  	_ =	swait.ge [sflag:s13], $0x4000  }
0x18: {  	[sflag:s13] =	ssyncset.done $0x0  }
0x19: {  	s15 =	simm.s32 $0x100;
	s14 =	simm.s32 $0x4;
	[sflag:s13] =	ssyncadd.s32 $0xFFFFC000  }
0x1a: {  	[tilespmem:s7], [sflag:$0x1] =	stream.indirect.gather [hbm4b:s5+s6], $0x80, s15, s6, $0xb8;
	[tilespmem:$0x8200] =	vst v63  }
0x1b: {  	_ =	swait.ge [sflag:s14], $0x4000  }
0x1c: {  	[sflag:s14] =	ssyncset.done $0x0  }
0x1d: {  	s16 =	simm.s32 $0x180;
	[sflag:s14] =	ssyncadd.s32 $0xFFFFC000  }
0x1e: {  	[tilespmem:s8], [sflag:$0x2] =	stream.indirect.gather [hbm4b:s5+s6], $0x80, s16, s6, $0xb8;
	[tilespmem:$0x8200] =	vst v63  }
0x1f: {  	_ =	swait.ge [sflag:s9], $0x4000  }
0x20: {  	s20 =	ssub.s32 $0x2, s18;
	[sflag:s9] =	ssyncset.done $0x0  }
0x21: {  	s31 =	sshrl.u32 s20, $0x1;
	s17 =	sadd.s32 $0x403800, s19;
	[sflag:s9] =	ssyncadd.s32 $0xFFFFC000  }
0x22: {  	[hbm4b:s17+s2] =	stream.linear.scatter [tilespmem:s7], [sflag:$0x3], $0x4000, $0x38;
	[tilespmem:$0x8200] =	vst v63  }
0x23: {  	s18 =	sadd.s32 $0x404000, s19;
	s19 =	ssub.s32 s20, s31;
	_ =	swait.ge [sflag:s11], $0x4000  }
0x24: {  	s19 =	smax.u32 s19, $0x1;
	[sflag:s11] =	ssyncset.done $0x0  }
0x25: {  	p0 =	sne.s32 s19, $0x1;
	[sflag:s11] =	ssyncadd.s32 $0xFFFFC000  }
0x26: {  	[hbm4b:s18+s2] =	stream.linear.scatter [tilespmem:s8], [sflag:$0x4], $0x4000, $0x38;
	[tilespmem:$0x8200] =	vst v63  }
.Ltmp0:
0x27: {  	_ =	swait.ge [sflag:s13], $0x4000;
	(pc) =	sbr.rel @!p0 .LBB2_2-.Ltmp0, $4  }
0x28: {  	[sflag:s13] =	ssyncset.done $0x0  }
0x29: {  	[sflag:s13] =	ssyncadd.s32 $0xFFFFC000  }
0x2a: {  	_ =	swait.ge [sflag:s14], $0x4000  }
0x2b: {  	s19 =	sadd.s32 $0xFFFFFFFF, s19;
	[sflag:s14] =	ssyncset.done $0x0  }
.LBB2_1:
0x2c: {  	p0 =	sne.s32 s19, $0x1;
	s19 =	sadd.s32 $0xFFFFFFFF, s19;
	[sflag:s14] =	ssyncadd.s32 $0xFFFFC000  }
0x2d: {  	[tilespmem:s2], [sflag:$0x5] =	stream.linear.gather [hbm4b:s3+s2], $0x200, $0x38;
	[tilespmem:$0x8200] =	vst v63  }
0x2e: {  	_ =	swait.ge [sflag:s4], $0x200  }
0x2f: {  	[sflag:s4] =	ssyncset.done $0x0  }
0x30: {  	[sflag:s4] =	ssyncadd.s32 $0xFFFFFE00  }
0x31: {  	[tilespmem:s7], [sflag:$0x1] =	stream.indirect.gather [hbm4b:s5+s6], $0x80, s2, s6, $0xb8;
	[tilespmem:$0x8200] =	vst v63  }
0x32: {  	_ = 	snop  }
0x33: {  	[tilespmem:s8], [sflag:$0x2] =	stream.indirect.gather [hbm4b:s5+s6], $0x80, s6, s6, $0xb8;
	[tilespmem:$0x8200] =	vst v63  }
0x34: {  	_ =	swait.ge [sflag:s9], $0x4000  }
0x35: {  	[sflag:s9] =	ssyncset.done $0x0  }
0x36: {  	[sflag:s9] =	ssyncadd.s32 $0xFFFFC000  }
0x37: {  	[hbm4b:s10+s2] =	stream.linear.scatter [tilespmem:s7], [sflag:$0x3], $0x4000, $0x38;
	[tilespmem:$0x8200] =	vst v63  }
0x38: {  	_ =	swait.ge [sflag:s11], $0x4000  }
0x39: {  	[sflag:s11] =	ssyncset.done $0x0  }
0x3a: {  	[sflag:s11] =	ssyncadd.s32 $0xFFFFC000  }
0x3b: {  	[hbm4b:s12+s2] =	stream.linear.scatter [tilespmem:s8], [sflag:$0x4], $0x4000, $0x38;
	[tilespmem:$0x8200] =	vst v63  }
0x3c: {  	_ =	swait.ge [sflag:s13], $0x4000  }
0x3d: {  	[sflag:s13] =	ssyncset.done $0x0  }
0x3e: {  	[sflag:s13] =	ssyncadd.s32 $0xFFFFC000  }
0x3f: {  	[tilespmem:s7], [sflag:$0x1] =	stream.indirect.gather [hbm4b:s5+s6], $0x80, s15, s6, $0xb8;
	[tilespmem:$0x8200] =	vst v63  }
0x40: {  	_ =	swait.ge [sflag:s14], $0x4000  }
0x41: {  	[sflag:s14] =	ssyncset.done $0x0  }
0x42: {  	[sflag:s14] =	ssyncadd.s32 $0xFFFFC000  }
0x43: {  	[tilespmem:s8], [sflag:$0x2] =	stream.indirect.gather [hbm4b:s5+s6], $0x80, s16, s6, $0xb8;
	[tilespmem:$0x8200] =	vst v63  }
0x44: {  	_ =	swait.ge [sflag:s9], $0x4000  }
0x45: {  	[sflag:s9] =	ssyncset.done $0x0  }
0x46: {  	[sflag:s9] =	ssyncadd.s32 $0xFFFFC000  }
0x47: {  	[hbm4b:s17+s2] =	stream.linear.scatter [tilespmem:s7], [sflag:$0x3], $0x4000, $0x38;
	[tilespmem:$0x8200] =	vst v63  }
0x48: {  	_ =	swait.ge [sflag:s11], $0x4000  }
0x49: {  	[sflag:s11] =	ssyncset.done $0x0  }
0x4a: {  	[sflag:s11] =	ssyncadd.s32 $0xFFFFC000  }
0x4b: {  	[hbm4b:s18+s2] =	stream.linear.scatter [tilespmem:s8], [sflag:$0x4], $0x4000, $0x38;
	[tilespmem:$0x8200] =	vst v63  }
.Ltmp1:
0x4c: {  	_ =	swait.ge [sflag:s13], $0x4000;
	(pc) =	sbr.rel @p0 .LBB2_1-.Ltmp1, $4  }
0x4d: {  	[sflag:s13] =	ssyncset.done $0x0  }
0x4e: {  	[sflag:s13] =	ssyncadd.s32 $0xFFFFC000  }
0x4f: {  	_ =	swait.ge [sflag:s14], $0x4000  }
0x50: {  	[sflag:s14] =	ssyncset.done $0x0  }
.LBB2_2:
0x51: {  	[sflag:s14] =	ssyncadd.s32 $0xFFFFC000  }
0x52: {  	_ =	sfence.sel $0x180000  }
0x53: {  	[bflag:$0x0] =	sbarrier.arrive $0xFFFF  }
0x54: {  	p0 =	sne.s32 s0, $0x0;
	_ =	strace $0x90000047  }
0x55: {  	s0 =	sadd.s32 @!p0 $0x100000, s1;
	[bflag:$0x2] =	sbarrier.arrive $0xFFFF  }
0x56: {  	[sflag:s0] =	ssyncadd.tile.s32 @!p0 $0x1;
	_ =	shalt  }
.Lfunc_end2:
_tile_overlayer_lowered:
.L_overlay_start_2:
0x57: {  	(tag) =	ssettag $0x2  }
0x58: {  	s0 =	rddreg [dreg:$0x0];
	s2 =	stileid.u32  }
0x59: {  	s1 =	rddreg [dreg:$0x1];
	p0 =	sne.s32 s2, $0x0  }
0x5a: {  	s3 =	rddreg [dreg:$0x2];
	[bflag:$0x3] =	sbarrier.arrive $0xFFFF;
	s2 =	simm.s32 @!p0 $0x1C05  }
0x5b: {  	[timem:s3], [sflag:s2] =	dma.local @!p0 [hbm:s0], s1  }
0x5c: {  	s0 =	simm.s32 @!p0 $0x5  }
0x5d: {  	_ =	swait.ge @!p0 [sflag:s0], s1  }
0x5e: {  	s1 =	ssub.s32 @!p0 $0x0, s1;
	[sflag:s0] =	ssyncset.done @!p0 $0x0  }
0x5f: {  	[sflag:s0] =	ssyncadd.s32 @!p0 s1  }
0x60: {  	[bflag:$0x3] =	sbarrier.arrive $0xFFFF  }
0x61: {  	_ =	shalt  }

// kernel: kernel.7.cloned.1.call-start
scs
__scs_entry_jumppad:
0x0: {  	(pc) =	sbr.rel $0x88, $3  }
0x1: {  	(tag) =	ssettag $0x0;
	lr =	simm.s32 $0x1  }
0x2: {  	[smem:$0x3F97] =	sst lr;
	_ =	strace $0xD0000000  }
0x3: {  	_ = 	snop  }
0x4: {  	_ = 	snop  }
0x5: {  	_ = 	snop  }
0x6: {  	_ = 	snop  }
0x7: {  	_ = 	snop  }
__scs_overlays_trampoline_lowered:
0x8: {  	[smem:$0x3FA6] =	sst s0  }
0x9: {  	[smem:$0x3FA7] =	sst s1  }
0xa: {  	[smem:$0x3FA8] =	sst s2  }
0xb: {  	[smem:$0x3FA9] =	sst s3  }
0xc: {  	[smem:$0x3FAA] =	sst s4  }
0xd: {  	[smem:$0x3FAB] =	sst s5  }
0xe: {  	[smem:$0x3FAC] =	sst s6  }
0xf: {  	[smem:$0x3FAD] =	sst s7  }
0x10: {  	[smem:$0x3FAE] =	sst s8  }
0x11: {  	[smem:$0x3FAF] =	sst s9;
	s0 =	simm.s32 @!p0 $0x0  }
0x12: {  	s1 =	sld [smem:$0x3F95];
	s0 =	simm.s32 @p0 $0x1  }
0x13: {  	[smem:$0x3FB0] =	sst s0;
	s0 =	simm.s32 @!p1 $0x0  }
0x14: {  	s2 =	sld [smem:$0x3F94];
	s0 =	simm.s32 @p1 $0x1  }
0x15: {  	[smem:$0x3FB1] =	sst s0;
	s0 =	simm.s32 @!p2 $0x0  }
0x16: {  	s3 =	sld [smem:$0x3FDB];
	s0 =	simm.s32 @p2 $0x1  }
0x17: {  	s4 =	simm.s32 $0x1BF5;
	[smem:$0x3FB3] =	sst s0  }
0x18: {  	s0 =	sld [smem:$0x3F96];
	_ =	swait.ge [sflag:s4], $0x0  }
0x19: {  	s7 =	sld [smem:$0x3F97]  }
0x1a: {  	s8 =	sadd.s32 $0xFFFFE003, lr  }
0x1b: {  	s9 =	sadd.s32 $0xFFFFFEF7, lr;
	s5 =	simm.s32 $0xFFFFFFFF;
	p2 =	slt.u32 s8, $0xFFFFF086  }
0x1c: {  	p1 =	slt.u32 s9, $0xF7A;
	s5 =	simm.s32 @!p2 $0x0  }
0x1d: {  	s5 =	simm.s32 @p1 $0x1;
	p0 =	seq.s32 s7, s2  }
0x1e: {  	s7 =	smul.u32 @!p0 $0xF7A, s2;
	p2 =	seq.s32 @!p0 s5, $0x0  }
0x1f: {  	s9 =	smul.u32 $0xF7A, s1;
	s8 =	simm.s32 @!p0 $0x1BF5;
	p2 =	por !p2, p0  }
0x20: {  	[sflag:s8] =	ssyncset.s32 @!p0 $0xFFFFF086;
	s6 =	sadd.s32 @!p0 s3, s7;
	s7 =	simm.s32 @!p0 $0x108  }
0x21: {  	s3 =	sadd.s32 s3, s9;
	s6 =	sadd.s32 @!p0 $0x88, s6;
	s7 =	simm.s32 @p2 $0x1082  }
0x22: {  	[simem:s7], [sflag:s8] =	dma.local @!p0 [hbm:s6], $0xF7A  }
0x23: {  	s9 =	sor.u32 $0xD0000000, s2;
	s6 =	simm.s32 $0x108;
	_ =	swait.ge @!p0 [sflag:s8], $0x0  }
0x24: {  	s3 =	sadd.s32 $0x88, s3;
	s6 =	simm.s32 @!p1 $0x1082;
	[sflag:s4] =	ssyncset.s32 $0xFFFFF086  }
0x25: {  	[simem:s6], [sflag:s4] =	dma.local [hbm:s3], $0xF7A  }
0x26: {  	[smem:$0x3F97] =	sst s1;
	(tag) =	ssettag s2;
	_ =	strace s9  }
0x27: {  	s1 =	sld [smem:$0x3FA7]  }
0x28: {  	s2 =	sld [smem:$0x3FA8]  }
0x29: {  	s4 =	sld [smem:$0x3FAA]  }
0x2a: {  	p0 =	seq.s32 s5, $0x0;
	s5 =	sld [smem:$0x3FAB]  }
0x2b: {  	s6 =	sld [smem:$0x3FAC]  }
0x2c: {  	s7 =	sld [smem:$0x3FAD]  }
0x2d: {  	s3 =	simm.s32 $0x108;
	s8 =	sld [smem:$0x3FAE]  }
0x2e: {  	s3 =	simm.s32 @!p0 $0x1082;
	s9 =	sld [smem:$0x3FAF]  }
0x2f: {  	lr =	sadd.s32 s0, s3;
	s0 =	sld [smem:$0x3FA6]  }
0x30: {  	s3 =	sld [smem:$0x3FA9]  }
0x31: {  	[smem:$0x3FB2] =	sst s10  }
0x32: {  	s10 =	sld [smem:$0x3FB0];
	_ =	sdelay $0x3  }
0x33: {  	p0 =	seq.s32 s10, $0x1;
	s10 =	sld [smem:$0x3FB2];
	_ =	sdelay $0x3  }
0x34: {  	[smem:$0x3FB2] =	sst s10  }
0x35: {  	s10 =	sld [smem:$0x3FB1];
	_ =	sdelay $0x3  }
0x36: {  	p1 =	seq.s32 s10, $0x1;
	s10 =	sld [smem:$0x3FB2];
	_ =	sdelay $0x3  }
0x37: {  	[smem:$0x3FB2] =	sst s10  }
0x38: {  	s10 =	sld [smem:$0x3FB3]  }
0x39: {  	_ = 	snop;
	(pc) =	sbr.ind lr, $3  }
0x3a: {  	_ = 	snop  }
0x3b: {  	_ = 	snop  }
0x3c: {  	p2 =	seq.s32 s10, $0x1;
	s10 =	sld [smem:$0x3FB2]  }
0x3d: {  	_ =	shalt  }
0x3e: {  	_ =	shalt  }
0x3f: {  	_ =	shalt  }
0x40: {  	_ =	shalt  }
0x41: {  	_ =	shalt  }
0x42: {  	_ =	shalt  }
0x43: {  	_ =	shalt  }
0x44: {  	_ =	shalt  }
0x45: {  	_ =	shalt  }
0x46: {  	_ =	shalt  }
0x47: {  	_ =	shalt  }
0x48: {  	_ =	shalt  }
0x49: {  	_ =	shalt  }
0x4a: {  	_ =	shalt  }
0x4b: {  	_ =	shalt  }
0x4c: {  	_ =	shalt  }
0x4d: {  	_ =	shalt  }
0x4e: {  	_ =	shalt  }
0x4f: {  	_ =	shalt  }
0x50: {  	_ =	shalt  }
0x51: {  	_ =	shalt  }
0x52: {  	_ =	shalt  }
0x53: {  	_ =	shalt  }
0x54: {  	_ =	shalt  }
0x55: {  	_ =	shalt  }
0x56: {  	_ =	shalt  }
0x57: {  	_ =	shalt  }
0x58: {  	_ =	shalt  }
0x59: {  	_ =	shalt  }
0x5a: {  	_ =	shalt  }
0x5b: {  	_ =	shalt  }
0x5c: {  	_ =	shalt  }
0x5d: {  	_ =	shalt  }
0x5e: {  	_ =	shalt  }
0x5f: {  	_ =	shalt  }
0x60: {  	_ =	shalt  }
0x61: {  	_ =	shalt  }
0x62: {  	_ =	shalt  }
0x63: {  	_ =	shalt  }
0x64: {  	_ =	shalt  }
0x65: {  	_ =	shalt  }
0x66: {  	_ =	shalt  }
0x67: {  	_ =	shalt  }
0x68: {  	_ =	shalt  }
0x69: {  	_ =	shalt  }
0x6a: {  	_ =	shalt  }
0x6b: {  	_ =	shalt  }
0x6c: {  	_ =	shalt  }
0x6d: {  	_ =	shalt  }
0x6e: {  	_ =	shalt  }
0x6f: {  	_ =	shalt  }
0x70: {  	_ =	shalt  }
0x71: {  	_ =	shalt  }
0x72: {  	_ =	shalt  }
0x73: {  	_ =	shalt  }
0x74: {  	_ =	shalt  }
0x75: {  	_ =	shalt  }
0x76: {  	_ =	shalt  }
0x77: {  	_ =	shalt  }
0x78: {  	_ =	shalt  }
0x79: {  	_ =	shalt  }
0x7a: {  	_ =	shalt  }
0x7b: {  	_ =	shalt  }
0x7c: {  	_ =	shalt  }
0x7d: {  	_ =	shalt  }
0x7e: {  	_ =	shalt  }
0x7f: {  	_ =	shalt  }
0x80: {  	_ =	shalt  }
0x81: {  	_ =	shalt  }
0x82: {  	_ =	shalt  }
0x83: {  	_ =	shalt  }
0x84: {  	_ =	shalt  }
0x85: {  	_ =	shalt  }
0x86: {  	_ =	shalt  }
0x87: {  	_ =	shalt  }
.Lfunc_end0:
.L_simem_size_0:
called_computation_lowered:
.L_overlay_start_0:
0x88: {  	s2 =	sld [smem:$0x3FD9]  }
0x89: {  	s3 =	sld [smem:$0x3FFE];
	_ =	sdelay $0x1  }
0x8a: {  	s1 =	srdreg.scid  }
0x8b: {  	s0 =	sand.u32 $0x1, s1  }
0x8c: {  	s17 =	sshll.u32 s0, $0xA;
	s2 =	sadd.s32 s3, s2  }
0x8d: {  	s2 =	sadd.s32 s2, s17  }
0x8e: {  	[smem:$0x3FBE] =	sst s2  }
0x8f: {  	_ = 	snop  }
0x90: {  	s18 =	sld [smem:$0x3FD0];
	(tm) =	ssettm $0x1  }
0x91: {  	s19 =	sld [smem:$0x3FFB];
	_ =	sdelay $0x3  }
0x92: {  	_ =	strace s19  }
0x93: {  	s2 =	sld [smem:$0x3FFC];
	_ =	sdelay $0x3  }
0x94: {  	_ =	strace s2  }
0x95: {  	s2 =	sld [smem:$0x3FFD];
	_ =	sdelay $0x3  }
0x96: {  	_ =	strace s2  }
0x97: {  	_ =	strace $0x8FFFFFFF  }
0x98: {  	s20 =	sld [smem:$0x3FDB];
	_ =	sdelay $0x1  }
0x99: {  	s4 =	simm.s32 $_scs_section_size  }
0x9a: {  	s5 =	simm.s32 $_size__tile_overlayer_lowered;
	s6 =	simm.s32 $_tile_overlayer_lowered  }
0x9b: {  	s7 =	simm.s32 $0x1BFF;
	s21 =	sshll.u32 s6, $0x1;
	s4 =	sadd.s32 s4, s20  }
0x9c: {  	s22 =	simm.s32 $0x0;
	s5 =	sshll.u32 s5, $0x1;
	s6 =	sadd.s32 s21, s4  }
0x9d: {  	[timem:s22], [sflag:s7] =	dma.local [hbm:s6], s5  }
0x9e: {  	_ =	swait.ge [sflag:s7], s5  }
0x9f: {  	s5 =	ssub.s32 $0x0, s5;
	[sflag:s7] =	ssyncset.done $0x0  }
0xa0: {  	[sflag:s7] =	ssyncadd.s32 s5;
	_ =	sdelay $0x1  }
0xa1: {  	s23 =	simm.s32 $0x1B8B  }
0xa2: {  	_ =	swait.ge [sflag:s23], $0x1  }
0xa3: {  	[sflag:s23] =	ssyncset.done $0x0  }
0xa4: {  	[sflag:s23] =	ssyncadd.s32 $0xFFFFFFFF  }
0xa5: {  	s5 =	sld [smem:$0x0]  }
0xa6: {  	s6 =	sand.u32 $0xFFFFFFFE, s1  }
0xa7: {  	p0 =	sne.s32 s1, s6  }
0xa8: {  	s6 =	sshll.u32 @p0 s6, $0xE  }
0xa9: {  	s6 =	sadd.s32 @p0 $0x11B8D, s6;
	s7 =	sshll.u32 @p0 s5, $0x11  }
0xaa: {  	s6 =	sor.u32 @p0 s7, s6  }
0xab: {  	[sflag:s6] =	ssyncadd.remote.s32 @p0 $0x1;
	_ =	sdelay $0x1  }
0xac: {  	s6 =	simm.s32 @p0 $0x1B8D  }
0xad: {  	_ =	swait.eq @p0 [sflag:s6], $0x1  }
0xae: {  	[sflag:s6] =	ssyncadd.s32 @p0 $0xFFFFFFFF  }
0xaf: {  	s7 =	sshll.u32 @!p0 s1, $0xE  }
0xb0: {  	s7 =	sor.u32 @!p0 $0x4000, s7;
	s6 =	simm.s32 @!p0 $0x1B8D  }
0xb1: {  	s5 =	sshll.u32 @!p0 s5, $0x11;
	s7 =	sadd.s32 @!p0 $0x11B8D, s7;
	_ =	swait.eq @!p0 [sflag:s6], $0x1  }
0xb2: {  	s5 =	sor.u32 @!p0 s5, s7;
	[sflag:s6] =	ssyncadd.s32 @!p0 $0xFFFFFFFF  }
0xb3: {  	s25 =	simm.s32 $0x1B8E;
	s24 =	sld [smem:$0x3FFE];
	[sflag:s5] =	ssyncadd.remote.s32 @!p0 $0x1  }
0xb4: {  	s26 =	simm.s32 $execute0_lowered;
	[smem:$0x3FD2] =	sst s25  }
0xb5: {  	s6 =	sshll.u32 s26, $0x1;
	_ =	strace $0x80000049;
	[dreg:$0x1] =	wrdreg $0xFFFFFFFF  }
0xb6: {  	s28 =	simm.s32 $_size_execute0_lowered;
	s4 =	sadd.s32 s4, s6;
	[dreg:$0x0] =	wrdreg $0x0  }
0xb7: {  	s6 =	sshll.u32 s28, $0x1;
	[dreg:$0x2] =	wrdreg s4  }
0xb8: {  	[dreg:$0x3] =	wrdreg s6  }
0xb9: {  	[dreg:$0x4] =	wrdreg $0xC0  }
0xba: {  	_ =	task [dreg:s22], $0x5FFFF  }
0xbb: {  	[dreg:$0x1] =	wrdreg $0xFFFFFFFF  }
0xbc: {  	[dreg:$0x0] =	wrdreg $0x60  }
0xbd: {  	[dreg:$0x2] =	wrdreg s24  }
0xbe: {  	[dreg:$0x3] =	wrdreg s18  }
0xbf: {  	[dreg:$0x4] =	wrdreg $0x9  }
0xc0: {  	_ =	task.clear_ibuf [dreg:s22], $0x5FFFF;
	_ =	strace $0x90000049  }
0xc1: {  	s29 =	simm.s32 $0x9;
	_ =	strace $0x8000004B  }
0xc2: {  	_ =	swait.ge [sflag:s29], $0x1  }
0xc3: {  	[sflag:s29] =	ssyncadd.s32 $0xFFFFFFFF  }
0xc4: {  	_ =	strace $0x9000004B  }
0xc5: {  	_ =	sfence  }
0xc6: {  	s30 =	sld [smem:$0x0];
	_ =	sdelay $0x2  }
0xc7: {  	s31 =	sshll.u32 s1, $0xD;
	s1 =	sshrl.u32 s1, $0x2  }
0xc8: {  	s4 =	sand.u32 $0x4000, s31;
	s1 =	sadd.s32 s1, s30  }
0xc9: {  	s0 =	sor.u32 s4, s0;
	s1 =	sshll.u32 s1, $0x11  }
0xca: {  	s0 =	sor.u32 s1, s0  }
0xcb: {  	s0 =	sadd.s32 $0x8F2B, s0  }
0xcc: {  	[sflag:s0] =	ssyncadd.remote.s32 $0x1  }
0xcd: {  	_ =	sfence.sel $0xFFFF  }
0xce: {  	[dreg:$0x0] =	wrdreg $0xFFFFFFFF;
	(pc) =	sbr.abs _section_cstart, $3  }
0xcf: {  	[dreg:$0x1] =	wrdreg $0xFFFFFFFF  }
0xd0: {  	_ =	task.clear_ibuf [dreg:s22], $0x2FFFF;
	_ =	strace $0x9FFFFFFF  }
0xd1: {  	(tm) =	ssettm $0x7FFFFFFF  }
tec
execute0_lowered:
.L_overlay_start_1:
0x0: {  	(tag) =	ssettag $0x1  }
0x1: {  	s1 =	srdreg.scid  }
0x2: {  	s10 =	rddreg [dreg:$0x0];
	s0 =	stileid.u32;
	s18 =	sand.u32 $0x1, s1  }
0x3: {  	s3 =	rddreg [dreg:$0x1];
	s4 =	sshll.u32 s0, $0xA;
	s5 =	sshll.u32 s18, $0x9  }
0x4: {  	s2 =	simm.s32 $0x0;
	s1 =	rddreg [dreg:$0x2];
	s11 =	sor.u32 s5, s4  }
0x5: {  	[smem:$0x7FF] =	sst s2;
	s4 =	sshrl.u32 s11, $0x3  }
0x6: {  	_ =	strace $0x8000004A;
	s3 =	sadd.s32 s3, s4;
	s4 =	simm.s32 $0x5  }
0x7: {  	[tilespmem:s2], [sflag:$0x5] =	stream.linear.gather [hbm4b:s3+s2], $0x200, $0x38;
	[tilespmem:$0x8200] =	vst v63  }
0x8: {  	_ =	swait.ge [sflag:s4], $0x200  }
0x9: {  	s6 =	simm.s32 $0x80;
	[sflag:s4] =	ssyncset.done $0x0  }
0xa: {  	s7 =	simm.s32 $0x200;
	s5 =	sadd.s32 $0x442800, s10;
	[sflag:s4] =	ssyncadd.s32 $0xFFFFFE00  }
0xb: {  	[tilespmem:s7], [sflag:$0x1] =	stream.indirect.gather [hbm4b:s5+s6], $0x80, s2, s6, $0xb8;
	[tilespmem:$0x8200] =	vst v63  }
0xc: {  	s8 =	simm.s32 $0x4200;
	s9 =	simm.s32 $0x1  }
0xd: {  	[tilespmem:s8], [sflag:$0x2] =	stream.indirect.gather [hbm4b:s5+s6], $0x80, s6, s6, $0xb8;
	[tilespmem:$0x8200] =	vst v63  }
0xe: {  	s11 =	sshll.u32 s11, $0x4;
	_ =	swait.ge [sflag:s9], $0x4000  }
0xf: {  	s19 =	sadd.s32 s11, s10;
	[sflag:s9] =	ssyncset.done $0x0  }
0x10: {  	s11 =	simm.s32 $0x2;
	s10 =	sadd.s32 $0x842800, s19;
	[sflag:s9] =	ssyncadd.s32 $0xFFFFC000  }
0x11: {  	[hbm4b:s10+s2] =	stream.linear.scatter [tilespmem:s7], [sflag:$0x3], $0x4000, $0x38;
	[tilespmem:$0x8200] =	vst v63  }
0x12: {  	_ =	swait.ge [sflag:s11], $0x4000  }
0x13: {  	[sflag:s11] =	ssyncset.done $0x0  }
0x14: {  	s13 =	simm.s32 $0x3;
	s12 =	sadd.s32 $0x843000, s19;
	[sflag:s11] =	ssyncadd.s32 $0xFFFFC000  }
0x15: {  	[hbm4b:s12+s2] =	stream.linear.scatter [tilespmem:s8], [sflag:$0x4], $0x4000, $0x38;
	[tilespmem:$0x8200] =	vst v63  }
0x16: {  	_ =	swait.ge [sflag:s13], $0x4000  }
0x17: {  	[sflag:s13] =	ssyncset.done $0x0  }
0x18: {  	s15 =	simm.s32 $0x100;
	s14 =	simm.s32 $0x4;
	[sflag:s13] =	ssyncadd.s32 $0xFFFFC000  }
0x19: {  	[tilespmem:s7], [sflag:$0x1] =	stream.indirect.gather [hbm4b:s5+s6], $0x80, s15, s6, $0xb8;
	[tilespmem:$0x8200] =	vst v63  }
0x1a: {  	_ =	swait.ge [sflag:s14], $0x4000  }
0x1b: {  	[sflag:s14] =	ssyncset.done $0x0  }
0x1c: {  	s16 =	simm.s32 $0x180;
	[sflag:s14] =	ssyncadd.s32 $0xFFFFC000  }
0x1d: {  	[tilespmem:s8], [sflag:$0x2] =	stream.indirect.gather [hbm4b:s5+s6], $0x80, s16, s6, $0xb8;
	[tilespmem:$0x8200] =	vst v63  }
0x1e: {  	_ =	swait.ge [sflag:s9], $0x4000  }
0x1f: {  	s20 =	ssub.s32 $0x2, s18;
	[sflag:s9] =	ssyncset.done $0x0  }
0x20: {  	s31 =	sshrl.u32 s20, $0x1;
	s17 =	sadd.s32 $0x843800, s19;
	[sflag:s9] =	ssyncadd.s32 $0xFFFFC000  }
0x21: {  	[hbm4b:s17+s2] =	stream.linear.scatter [tilespmem:s7], [sflag:$0x3], $0x4000, $0x38;
	[tilespmem:$0x8200] =	vst v63  }
0x22: {  	s18 =	sadd.s32 $0x844000, s19;
	s19 =	ssub.s32 s20, s31;
	_ =	swait.ge [sflag:s11], $0x4000  }
0x23: {  	s19 =	smax.u32 s19, $0x1;
	[sflag:s11] =	ssyncset.done $0x0  }
0x24: {  	p0 =	sne.s32 s19, $0x1;
	[sflag:s11] =	ssyncadd.s32 $0xFFFFC000  }
0x25: {  	[hbm4b:s18+s2] =	stream.linear.scatter [tilespmem:s8], [sflag:$0x4], $0x4000, $0x38;
	[tilespmem:$0x8200] =	vst v63  }
.Ltmp0:
0x26: {  	_ =	swait.ge [sflag:s13], $0x4000;
	(pc) =	sbr.rel @!p0 .LBB2_2-.Ltmp0, $4  }
0x27: {  	[sflag:s13] =	ssyncset.done $0x0  }
0x28: {  	[sflag:s13] =	ssyncadd.s32 $0xFFFFC000  }
0x29: {  	_ =	swait.ge [sflag:s14], $0x4000  }
0x2a: {  	s19 =	sadd.s32 $0xFFFFFFFF, s19;
	[sflag:s14] =	ssyncset.done $0x0  }
.LBB2_1:
0x2b: {  	p0 =	sne.s32 s19, $0x1;
	s19 =	sadd.s32 $0xFFFFFFFF, s19;
	[sflag:s14] =	ssyncadd.s32 $0xFFFFC000  }
0x2c: {  	[tilespmem:s2], [sflag:$0x5] =	stream.linear.gather [hbm4b:s3+s2], $0x200, $0x38;
	[tilespmem:$0x8200] =	vst v63  }
0x2d: {  	_ =	swait.ge [sflag:s4], $0x200  }
0x2e: {  	[sflag:s4] =	ssyncset.done $0x0  }
0x2f: {  	[sflag:s4] =	ssyncadd.s32 $0xFFFFFE00  }
0x30: {  	[tilespmem:s7], [sflag:$0x1] =	stream.indirect.gather [hbm4b:s5+s6], $0x80, s2, s6, $0xb8;
	[tilespmem:$0x8200] =	vst v63  }
0x31: {  	_ = 	snop  }
0x32: {  	[tilespmem:s8], [sflag:$0x2] =	stream.indirect.gather [hbm4b:s5+s6], $0x80, s6, s6, $0xb8;
	[tilespmem:$0x8200] =	vst v63  }
0x33: {  	_ =	swait.ge [sflag:s9], $0x4000  }
0x34: {  	[sflag:s9] =	ssyncset.done $0x0  }
0x35: {  	[sflag:s9] =	ssyncadd.s32 $0xFFFFC000  }
0x36: {  	[hbm4b:s10+s2] =	stream.linear.scatter [tilespmem:s7], [sflag:$0x3], $0x4000, $0x38;
	[tilespmem:$0x8200] =	vst v63  }
0x37: {  	_ =	swait.ge [sflag:s11], $0x4000  }
0x38: {  	[sflag:s11] =	ssyncset.done $0x0  }
0x39: {  	[sflag:s11] =	ssyncadd.s32 $0xFFFFC000  }
0x3a: {  	[hbm4b:s12+s2] =	stream.linear.scatter [tilespmem:s8], [sflag:$0x4], $0x4000, $0x38;
	[tilespmem:$0x8200] =	vst v63  }
0x3b: {  	_ =	swait.ge [sflag:s13], $0x4000  }
0x3c: {  	[sflag:s13] =	ssyncset.done $0x0  }
0x3d: {  	[sflag:s13] =	ssyncadd.s32 $0xFFFFC000  }
0x3e: {  	[tilespmem:s7], [sflag:$0x1] =	stream.indirect.gather [hbm4b:s5+s6], $0x80, s15, s6, $0xb8;
	[tilespmem:$0x8200] =	vst v63  }
0x3f: {  	_ =	swait.ge [sflag:s14], $0x4000  }
0x40: {  	[sflag:s14] =	ssyncset.done $0x0  }
0x41: {  	[sflag:s14] =	ssyncadd.s32 $0xFFFFC000  }
0x42: {  	[tilespmem:s8], [sflag:$0x2] =	stream.indirect.gather [hbm4b:s5+s6], $0x80, s16, s6, $0xb8;
	[tilespmem:$0x8200] =	vst v63  }
0x43: {  	_ =	swait.ge [sflag:s9], $0x4000  }
0x44: {  	[sflag:s9] =	ssyncset.done $0x0  }
0x45: {  	[sflag:s9] =	ssyncadd.s32 $0xFFFFC000  }
0x46: {  	[hbm4b:s17+s2] =	stream.linear.scatter [tilespmem:s7], [sflag:$0x3], $0x4000, $0x38;
	[tilespmem:$0x8200] =	vst v63  }
0x47: {  	_ =	swait.ge [sflag:s11], $0x4000  }
0x48: {  	[sflag:s11] =	ssyncset.done $0x0  }
0x49: {  	[sflag:s11] =	ssyncadd.s32 $0xFFFFC000  }
0x4a: {  	[hbm4b:s18+s2] =	stream.linear.scatter [tilespmem:s8], [sflag:$0x4], $0x4000, $0x38;
	[tilespmem:$0x8200] =	vst v63  }
.Ltmp1:
0x4b: {  	_ =	swait.ge [sflag:s13], $0x4000;
	(pc) =	sbr.rel @p0 .LBB2_1-.Ltmp1, $4  }
0x4c: {  	[sflag:s13] =	ssyncset.done $0x0  }
0x4d: {  	[sflag:s13] =	ssyncadd.s32 $0xFFFFC000  }
0x4e: {  	_ =	swait.ge [sflag:s14], $0x4000  }
0x4f: {  	[sflag:s14] =	ssyncset.done $0x0  }
.LBB2_2:
0x50: {  	[sflag:s14] =	ssyncadd.s32 $0xFFFFC000  }
0x51: {  	_ =	sfence.sel $0x180000  }
0x52: {  	[bflag:$0x0] =	sbarrier.arrive $0xFFFF  }
0x53: {  	p0 =	sne.s32 s0, $0x0;
	_ =	strace $0x9000004A  }
0x54: {  	s0 =	sadd.s32 @!p0 $0x100000, s1;
	[bflag:$0x2] =	sbarrier.arrive $0xFFFF  }
0x55: {  	[sflag:s0] =	ssyncadd.tile.s32 @!p0 $0x1;
	_ =	shalt  }
.Lfunc_end2:
_tile_overlayer_lowered:
.L_overlay_start_2:
0x56: {  	(tag) =	ssettag $0x2  }
0x57: {  	s0 =	rddreg [dreg:$0x0];
	s2 =	stileid.u32  }
0x58: {  	s1 =	rddreg [dreg:$0x1];
	p0 =	sne.s32 s2, $0x0  }
0x59: {  	s3 =	rddreg [dreg:$0x2];
	[bflag:$0x3] =	sbarrier.arrive $0xFFFF;
	s2 =	simm.s32 @!p0 $0x1C05  }
0x5a: {  	[timem:s3], [sflag:s2] =	dma.local @!p0 [hbm:s0], s1  }
0x5b: {  	s0 =	simm.s32 @!p0 $0x5  }
0x5c: {  	_ =	swait.ge @!p0 [sflag:s0], s1  }
0x5d: {  	s1 =	ssub.s32 @!p0 $0x0, s1;
	[sflag:s0] =	ssyncset.done @!p0 $0x0  }
0x5e: {  	[sflag:s0] =	ssyncadd.s32 @!p0 s1  }
0x5f: {  	[bflag:$0x3] =	sbarrier.arrive $0xFFFF  }
0x60: {  	_ =	shalt  }

</sc_bundles>
